<compile_context>
chip_gen: v7x
topology: tpu7x:2x2x1
jax: 0.10.2.dev20260603
libtpu: 0.0.44.dev20260713+nightly
codegen_flags: <defaults>
</compile_context>

<pallas_src>
import jax
import jax.numpy as jnp
from jax import lax
from jax.experimental import pallas as pl
from jax.experimental.pallas import tpu as pltpu
from jax.experimental.pallas import tpu_sc as plsc

N = 10000
D = 128
E = 320000
R = 3
NC = 2
NS = 16
NW = NC * NS
ET = R * E
EPW = ET // NW
K = 80
NWIN = EPW // K
UNROLL = 3
NP = 10240
RPT = NP // NS
ZR = 64

_DN = (((1,), (1,)), ((), ()))


def _mm_body(x_ref, w0_ref, w1_ref, w2_ref, wr_ref, b_ref,
             h0_ref, h1_ref, h2_ref, xr_ref):
    x = x_ref[...]
    h0_ref[...] = lax.dot_general(x, w0_ref[...], _DN, preferred_element_type=jnp.float32)
    h1_ref[...] = lax.dot_general(x, w1_ref[...], _DN, preferred_element_type=jnp.float32)
    h2_ref[...] = lax.dot_general(x, w2_ref[...], _DN, preferred_element_type=jnp.float32)
    xr_ref[...] = lax.dot_general(x, wr_ref[...], _DN, preferred_element_type=jnp.float32) + b_ref[...]


_BM = 2000

_mm_call = pl.pallas_call(
    _mm_body,
    grid=(N // _BM,),
    in_specs=[pl.BlockSpec((_BM, D), lambda i: (i, 0))]
    + [pl.BlockSpec((D, D), lambda i: (0, 0))] * 4
    + [pl.BlockSpec((1, D), lambda i: (0, 0))],
    out_specs=[pl.BlockSpec((_BM, D), lambda i: (i, 0))] * 4,
    out_shape=[jax.ShapeDtypeStruct((N, D), jnp.float32)] * 4,
)


def _combine_body(p0_ref, p1_ref, o_ref):
    o_ref[...] = p0_ref[...] + p1_ref[...]


_combine_call = pl.pallas_call(
    _combine_body,
    grid=(N // _BM,),
    in_specs=[pl.BlockSpec((_BM, D), lambda i: (i, 0)),
              pl.BlockSpec((_BM, D), lambda i: (i, 0))],
    out_specs=pl.BlockSpec((_BM, D), lambda i: (i, 0)),
    out_shape=jax.ShapeDtypeStruct((N, D), jnp.float32),
)


def _sc_body(e0f, e1f, e2f, h0, h1, h2, xroot,
             out0, out1,
             acc,
             sidx0, sidx1, sidx2, didx0, didx1, didx2,
             rows0, rows1, rows2, zbuf,
             semi0, semi1, semi2, semg0, semg1, semg2,
             semd0, semd1, semd2):
    c = lax.axis_index("c")
    s = lax.axis_index("s")
    wid = s * NC + c

    sidx = (sidx0, sidx1, sidx2)
    didx = (didx0, didx1, didx2)
    rows = (rows0, rows1, rows2)
    semi = (semi0, semi1, semi2)
    semg = (semg0, semg1, semg2)
    semd = (semd0, semd1, semd2)

    def rel_branch(w, fn):
        base = wid * EPW + w * K

        @pl.when(base < E)
        def _():
            fn(e0f, h0, base)

        @pl.when(jnp.logical_and(base >= E, base < 2 * E))
        def _():
            fn(e1f, h1, base - E)

        @pl.when(base >= 2 * E)
        def _():
            fn(e2f, h2, base - 2 * E)

    def sidx_issue(w, slot):
        def go(ef, h, off):
            pltpu.async_copy(ef.at[pl.ds(off, K)], sidx[slot], semi[slot])
        rel_branch(w, go)

    def didx_issue(w, slot):
        def go(ef, h, off):
            pltpu.async_copy(ef.at[pl.ds(E + off, K)], didx[slot], semd[slot])
        rel_branch(w, go)

    def sidx_wait(slot):
        pltpu.make_async_copy(e0f.at[pl.ds(0, K)], sidx[slot], semi[slot]).wait()

    def didx_wait(slot):
        pltpu.make_async_copy(e0f.at[pl.ds(0, K)], didx[slot], semd[slot]).wait()

    def g_issue(w, slot):
        def go(ef, h, off):
            pltpu.async_copy(h.at[sidx[slot]], rows[slot], semg[slot])
        rel_branch(w, go)

    def g_wait(slot):
        pltpu.make_async_copy(h0.at[pl.ds(0, K)], rows[slot], semg[slot]).wait()

    def scatter(slot):
        pltpu.sync_copy(rows[slot], acc.at[didx[slot]], add=True)

    zbase = s * RPT
    for w in range(UNROLL):
        sidx_issue(w, w)
    didx_issue(0, 0)
    didx_issue(1, 1)

    _TAIL = N - (NS - 1) * RPT
    use_root = jnp.where(c == 0, s < NS // 2, s >= NS // 2)

    @pl.when(jnp.logical_and(use_root, s < NS - 1))
    def _():
        pltpu.async_copy(xroot.at[pl.ds(zbase, RPT), :],
                         acc.at[pl.ds(zbase, RPT), :], semg0).wait()

    @pl.when(jnp.logical_and(use_root, s == NS - 1))
    def _():
        pltpu.async_copy(xroot.at[pl.ds(zbase, _TAIL), :],
                         acc.at[pl.ds(zbase, _TAIL), :], semg0).wait()

    @pl.when(jnp.logical_not(use_root))
    def _():
        z16 = jnp.zeros((16,), jnp.float32)

        def _zrow(i, carry):
            for j in range(D // 16):
                zbuf[i, pl.ds(j * 16, 16)] = z16
            return carry

        lax.fori_loop(0, ZR, _zrow, 0)
        for i in range(RPT // ZR):
            pltpu.sync_copy(zbuf, acc.at[pl.ds(zbase + i * ZR, ZR), :])

    plsc.subcore_barrier()

    sidx_wait(0)
    g_issue(0, 0)
    sidx_wait(1)
    g_issue(1, 1)

    def _body(w3, carry):
        w = UNROLL * w3
        for j in range(UNROLL):
            jn = (j + 2) % UNROLL
            g_wait(j)
            didx_wait(j)
            scatter(j)

            @pl.when(w + j + UNROLL < NWIN)
            def _():
                sidx_issue(w + j + UNROLL, j)

            @pl.when(w + j + 2 < NWIN)
            def _():
                didx_issue(w + j + 2, jn)
                sidx_wait(jn)
                g_issue(w + j + 2, jn)

        return carry

    lax.fori_loop(0, NWIN // UNROLL, _body, 0)
    plsc.subcore_barrier()

    obase = s * RPT
    out = (out0, out1)
    for cc in range(NC):
        @pl.when(jnp.logical_and(c == cc, s < NS - 1))
        def _(cc=cc):
            pltpu.sync_copy(acc.at[pl.ds(obase, RPT), :],
                            out[cc].at[pl.ds(obase, RPT), :])

        @pl.when(jnp.logical_and(c == cc, s == NS - 1))
        def _(cc=cc):
            pltpu.sync_copy(acc.at[pl.ds(obase, _TAIL), :],
                            out[cc].at[pl.ds(obase, _TAIL), :])


def _make_sc_call():
    return pl.kernel(
        _sc_body,
        out_type=(jax.ShapeDtypeStruct((NP, D), jnp.float32),) * 2,
        mesh=plsc.VectorSubcoreMesh(core_axis_name="c", subcore_axis_name="s"),
        scratch_types=[
            pltpu.VMEM_SHARED((NP, D), jnp.float32),
        ]
        + [pltpu.VMEM((K,), jnp.int32)] * 6
        + [pltpu.VMEM((K, D), jnp.float32)] * 3
        + [pltpu.VMEM((ZR, D), jnp.float32)]
        + [pltpu.SemaphoreType.DMA] * 9,
    )


def kernel(x, edge_index_0, edge_index_1, edge_index_2, W0, W1, W2, W_root, b_root):
    h0, h1, h2, xroot = _mm_call(x, W0, W1, W2, W_root, b_root.reshape(1, D))
    sc = _make_sc_call()
    p0, p1 = sc(edge_index_0.reshape(2 * E), edge_index_1.reshape(2 * E),
                edge_index_2.reshape(2 * E), h0, h1, h2, xroot)
    return _combine_call(p0, p1)

# --- scband reference (transcript-rebuilt; emitter-appended) ---
"""Pipeline reference for scband-rgnnlayer-14070312862199 (READ-ONLY COPY).

The authoritative reference and input builder live on the scoring server;
editing this copy changes nothing except your own understanding.
"""

import jax, jax.numpy as jnp
import numpy as np

N = 10000
E = 320000
D_IN = 128
D_OUT = 128

def setup_inputs(seed: int = 0) -> dict:
    key = jax.random.key(seed)
    ks = jax.random.split(key, 10)
    x = jax.random.normal(ks[0], (N, D_IN), dtype=jnp.float32)
    edge_index_0 = jax.random.randint(ks[1], (2, E), 0, N, dtype=jnp.int32)
    edge_index_1 = jax.random.randint(ks[2], (2, E), 0, N, dtype=jnp.int32)
    edge_index_2 = jax.random.randint(ks[3], (2, E), 0, N, dtype=jnp.int32)
    s = 1.0 / np.sqrt(D_IN)
    W0 = jax.random.uniform(ks[4], (D_OUT, D_IN), dtype=jnp.float32, minval=-s, maxval=s)
    W1 = jax.random.uniform(ks[5], (D_OUT, D_IN), dtype=jnp.float32, minval=-s, maxval=s)
    W2 = jax.random.uniform(ks[6], (D_OUT, D_IN), dtype=jnp.float32, minval=-s, maxval=s)
    W_root = jax.random.uniform(ks[7], (D_OUT, D_IN), dtype=jnp.float32, minval=-s, maxval=s)
    b_root = jax.random.uniform(ks[8], (D_OUT,), dtype=jnp.float32, minval=-s, maxval=s)
    return {"x": x, "edge_index_0": edge_index_0, "edge_index_1": edge_index_1,
            "edge_index_2": edge_index_2, "W0": W0, "W1": W1, "W2": W2,
            "W_root": W_root, "b_root": b_root}

def reference(x, edge_index_0, edge_index_1, edge_index_2, W0, W1, W2, W_root, b_root):
    # root transform: Linear(in, out, bias=True)
    x_out = x @ W_root.T + b_root
    # per-relation LinearConv: h = Linear(x, bias=False); message x_j = h[src]; aggregate 'add' at dst
    for ei, W in ((edge_index_0, W0), (edge_index_1, W1), (edge_index_2, W2)):
        h = x @ W.T
        msgs = jnp.take(h, ei[0], axis=0)
        agg = jax.ops.segment_sum(msgs, ei[1], num_segments=N)
        x_out = x_out + agg
    return x_out

if __name__ == "__main__":
    import jax
    _d = setup_inputs()
    print(jax.jit(kernel)(*tuple(_d.values())))

</pallas_src>

<mosaic_0001>
#map = affine_map<(d0, d1) -> (0)>
#map1 = affine_map<(d0, d1) -> (0, 0)>
module attributes {stable_mosaic.version = 14 : i64} {
  func.func @_sc_body(%arg0: i32, %arg1: i32, %arg2: memref<640000xi32, #tpu.memory_space<hbm>>, %arg3: memref<640000xi32, #tpu.memory_space<hbm>>, %arg4: memref<640000xi32, #tpu.memory_space<hbm>>, %arg5: memref<10000x128xf32, #tpu.memory_space<hbm>>, %arg6: memref<10000x128xf32, #tpu.memory_space<hbm>>, %arg7: memref<10000x128xf32, #tpu.memory_space<hbm>>, %arg8: memref<10000x128xf32, #tpu.memory_space<hbm>>, %arg9: memref<10240x128xf32, #tpu.memory_space<hbm>>, %arg10: memref<10240x128xf32, #tpu.memory_space<hbm>>, %arg11: memref<10240x128xf32, #tpu.memory_space<vmem_shared>>, %arg12: memref<80xi32, #tpu.memory_space<vmem>>, %arg13: memref<80xi32, #tpu.memory_space<vmem>>, %arg14: memref<80xi32, #tpu.memory_space<vmem>>, %arg15: memref<80xi32, #tpu.memory_space<vmem>>, %arg16: memref<80xi32, #tpu.memory_space<vmem>>, %arg17: memref<80xi32, #tpu.memory_space<vmem>>, %arg18: memref<80x128xf32, #tpu.memory_space<vmem>>, %arg19: memref<80x128xf32, #tpu.memory_space<vmem>>, %arg20: memref<80x128xf32, #tpu.memory_space<vmem>>, %arg21: memref<64x128xf32, #tpu.memory_space<vmem>>, %arg22: memref<!tpu.dma_semaphore, #tpu.memory_space<semaphore_mem>>, %arg23: memref<!tpu.dma_semaphore, #tpu.memory_space<semaphore_mem>>, %arg24: memref<!tpu.dma_semaphore, #tpu.memory_space<semaphore_mem>>, %arg25: memref<!tpu.dma_semaphore, #tpu.memory_space<semaphore_mem>>, %arg26: memref<!tpu.dma_semaphore, #tpu.memory_space<semaphore_mem>>, %arg27: memref<!tpu.dma_semaphore, #tpu.memory_space<semaphore_mem>>, %arg28: memref<!tpu.dma_semaphore, #tpu.memory_space<semaphore_mem>>, %arg29: memref<!tpu.dma_semaphore, #tpu.memory_space<semaphore_mem>>, %arg30: memref<!tpu.dma_semaphore, #tpu.memory_space<semaphore_mem>>) attributes {dimension_semantics = [#tpu.dimension_semantics<core_parallel>, #tpu.dimension_semantics<subcore_parallel>], iteration_bounds = array<i64: 2, 16>, scalar_prefetch = 0 : i64, scratch_operands = 20 : i64, tpu.core_type = #tpu.core_type<sc_vector_subcore>, window_params = [{transform_indices = #map}, {transform_indices = #map}, {transform_indices = #map}, {transform_indices = #map1}, {transform_indices = #map1}, {transform_indices = #map1}, {transform_indices = #map1}, {transform_indices = #map1}, {transform_indices = #map1}]} {
    %mul3A = arith.constant 2 : i32
    %mul3A_0 = arith.muli %arg1, %mul3A : i32
    %add3A = arith.addi %mul3A_0, %arg0 : i32
    %mul3A_1 = arith.constant 640 : i32
    %mul3A_2 = arith.muli %arg1, %mul3A_1 : i32
    %mul3A_3 = arith.constant 30000 : i32
    %mul3A_4 = arith.muli %add3A, %mul3A_3 : i32
    %add3A_5 = arith.constant 0 : i32
    %add3A_6 = arith.addi %mul3A_4, %add3A_5 : i32
    %lt3A = arith.constant 320000 : i32
    %lt3A_7 = arith.cmpi slt, %add3A_6, %lt3A : i32
    %convert_element_type3A = arith.extui %lt3A_7 : i1 to i32
    %cond3A = arith.constant 0 : i32
    %cond3A_8 = arith.cmpi ne, %convert_element_type3A, %cond3A : i32
    scf.if %cond3A_8 {
      %dma_start3A = tpu.memref_slice %arg2[%add3A_6] : memref<640000xi32, #tpu.memory_space<hbm>> -> memref<80xi32, #tpu.memory_space<hbm>>
      %dma_start3A_220 = tpu.memref_slice %arg2[%add3A_6] : memref<640000xi32, #tpu.memory_space<hbm>> -> memref<80xi32, #tpu.memory_space<hbm>>
      tpu.enqueue_dma source(%dma_start3A_220 : memref<80xi32, #tpu.memory_space<hbm>>) target(%arg12 : memref<80xi32, #tpu.memory_space<vmem>>) target_semaphore(%arg22 : memref<!tpu.dma_semaphore, #tpu.memory_space<semaphore_mem>>)
    } else {
    }
    %ge3A = arith.constant 320000 : i32
    %ge3A_9 = arith.cmpi sge, %add3A_6, %ge3A : i32
    %lt3A_10 = arith.constant 640000 : i32
    %lt3A_11 = arith.cmpi slt, %add3A_6, %lt3A_10 : i32
    %and3A = arith.andi %ge3A_9, %lt3A_11 : i1
    %convert_element_type3A_12 = arith.extui %and3A : i1 to i32
    %cond3A_13 = arith.constant 0 : i32
    %cond3A_14 = arith.cmpi ne, %convert_element_type3A_12, %cond3A_13 : i32
    scf.if %cond3A_14 {
      %sub3A = arith.constant 320000 : i32
      %sub3A_220 = arith.subi %add3A_6, %sub3A : i32
      %dma_start3A = tpu.memref_slice %arg3[%sub3A_220] : memref<640000xi32, #tpu.memory_space<hbm>> -> memref<80xi32, #tpu.memory_space<hbm>>
      %dma_start3A_221 = tpu.memref_slice %arg3[%sub3A_220] : memref<640000xi32, #tpu.memory_space<hbm>> -> memref<80xi32, #tpu.memory_space<hbm>>
      tpu.enqueue_dma source(%dma_start3A_221 : memref<80xi32, #tpu.memory_space<hbm>>) target(%arg12 : memref<80xi32, #tpu.memory_space<vmem>>) target_semaphore(%arg22 : memref<!tpu.dma_semaphore, #tpu.memory_space<semaphore_mem>>)
    } else {
    }
    %ge3A_15 = arith.constant 640000 : i32
    %ge3A_16 = arith.cmpi sge, %add3A_6, %ge3A_15 : i32
    %convert_element_type3A_17 = arith.extui %ge3A_16 : i1 to i32
    %cond3A_18 = arith.constant 0 : i32
    %cond3A_19 = arith.cmpi ne, %convert_element_type3A_17, %cond3A_18 : i32
    scf.if %cond3A_19 {
      %sub3A = arith.constant 640000 : i32
      %sub3A_220 = arith.subi %add3A_6, %sub3A : i32
      %dma_start3A = tpu.memref_slice %arg4[%sub3A_220] : memref<640000xi32, #tpu.memory_space<hbm>> -> memref<80xi32, #tpu.memory_space<hbm>>
      %dma_start3A_221 = tpu.memref_slice %arg4[%sub3A_220] : memref<640000xi32, #tpu.memory_space<hbm>> -> memref<80xi32, #tpu.memory_space<hbm>>
      tpu.enqueue_dma source(%dma_start3A_221 : memref<80xi32, #tpu.memory_space<hbm>>) target(%arg12 : memref<80xi32, #tpu.memory_space<vmem>>) target_semaphore(%arg22 : memref<!tpu.dma_semaphore, #tpu.memory_space<semaphore_mem>>)
    } else {
    }
    %mul3A_20 = arith.constant 30000 : i32
    %mul3A_21 = arith.muli %add3A, %mul3A_20 : i32
    %add3A_22 = arith.constant 80 : i32
    %add3A_23 = arith.addi %mul3A_21, %add3A_22 : i32
    %lt3A_24 = arith.constant 320000 : i32
    %lt3A_25 = arith.cmpi slt, %add3A_23, %lt3A_24 : i32
    %convert_element_type3A_26 = arith.extui %lt3A_25 : i1 to i32
    %cond3A_27 = arith.constant 0 : i32
    %cond3A_28 = arith.cmpi ne, %convert_element_type3A_26, %cond3A_27 : i32
    scf.if %cond3A_28 {
      %dma_start3A = tpu.memref_slice %arg2[%add3A_23] : memref<640000xi32, #tpu.memory_space<hbm>> -> memref<80xi32, #tpu.memory_space<hbm>>
      %dma_start3A_220 = tpu.memref_slice %arg2[%add3A_23] : memref<640000xi32, #tpu.memory_space<hbm>> -> memref<80xi32, #tpu.memory_space<hbm>>
      tpu.enqueue_dma source(%dma_start3A_220 : memref<80xi32, #tpu.memory_space<hbm>>) target(%arg13 : memref<80xi32, #tpu.memory_space<vmem>>) target_semaphore(%arg23 : memref<!tpu.dma_semaphore, #tpu.memory_space<semaphore_mem>>)
    } else {
    }
    %ge3A_29 = arith.constant 320000 : i32
    %ge3A_30 = arith.cmpi sge, %add3A_23, %ge3A_29 : i32
    %lt3A_31 = arith.constant 640000 : i32
    %lt3A_32 = arith.cmpi slt, %add3A_23, %lt3A_31 : i32
    %and3A_33 = arith.andi %ge3A_30, %lt3A_32 : i1
    %convert_element_type3A_34 = arith.extui %and3A_33 : i1 to i32
    %cond3A_35 = arith.constant 0 : i32
    %cond3A_36 = arith.cmpi ne, %convert_element_type3A_34, %cond3A_35 : i32
    scf.if %cond3A_36 {
      %sub3A = arith.constant 320000 : i32
      %sub3A_220 = arith.subi %add3A_23, %sub3A : i32
      %dma_start3A = tpu.memref_slice %arg3[%sub3A_220] : memref<640000xi32, #tpu.memory_space<hbm>> -> memref<80xi32, #tpu.memory_space<hbm>>
      %dma_start3A_221 = tpu.memref_slice %arg3[%sub3A_220] : memref<640000xi32, #tpu.memory_space<hbm>> -> memref<80xi32, #tpu.memory_space<hbm>>
      tpu.enqueue_dma source(%dma_start3A_221 : memref<80xi32, #tpu.memory_space<hbm>>) target(%arg13 : memref<80xi32, #tpu.memory_space<vmem>>) target_semaphore(%arg23 : memref<!tpu.dma_semaphore, #tpu.memory_space<semaphore_mem>>)
    } else {
    }
    %ge3A_37 = arith.constant 640000 : i32
    %ge3A_38 = arith.cmpi sge, %add3A_23, %ge3A_37 : i32
    %convert_element_type3A_39 = arith.extui %ge3A_38 : i1 to i32
    %cond3A_40 = arith.constant 0 : i32
    %cond3A_41 = arith.cmpi ne, %convert_element_type3A_39, %cond3A_40 : i32
    scf.if %cond3A_41 {
      %sub3A = arith.constant 640000 : i32
      %sub3A_220 = arith.subi %add3A_23, %sub3A : i32
      %dma_start3A = tpu.memref_slice %arg4[%sub3A_220] : memref<640000xi32, #tpu.memory_space<hbm>> -> memref<80xi32, #tpu.memory_space<hbm>>
      %dma_start3A_221 = tpu.memref_slice %arg4[%sub3A_220] : memref<640000xi32, #tpu.memory_space<hbm>> -> memref<80xi32, #tpu.memory_space<hbm>>
      tpu.enqueue_dma source(%dma_start3A_221 : memref<80xi32, #tpu.memory_space<hbm>>) target(%arg13 : memref<80xi32, #tpu.memory_space<vmem>>) target_semaphore(%arg23 : memref<!tpu.dma_semaphore, #tpu.memory_space<semaphore_mem>>)
    } else {
    }
    %mul3A_42 = arith.constant 30000 : i32
    %mul3A_43 = arith.muli %add3A, %mul3A_42 : i32
    %add3A_44 = arith.constant 160 : i32
    %add3A_45 = arith.addi %mul3A_43, %add3A_44 : i32
    %lt3A_46 = arith.constant 320000 : i32
    %lt3A_47 = arith.cmpi slt, %add3A_45, %lt3A_46 : i32
    %convert_element_type3A_48 = arith.extui %lt3A_47 : i1 to i32
    %cond3A_49 = arith.constant 0 : i32
    %cond3A_50 = arith.cmpi ne, %convert_element_type3A_48, %cond3A_49 : i32
    scf.if %cond3A_50 {
      %dma_start3A = tpu.memref_slice %arg2[%add3A_45] : memref<640000xi32, #tpu.memory_space<hbm>> -> memref<80xi32, #tpu.memory_space<hbm>>
      %dma_start3A_220 = tpu.memref_slice %arg2[%add3A_45] : memref<640000xi32, #tpu.memory_space<hbm>> -> memref<80xi32, #tpu.memory_space<hbm>>
      tpu.enqueue_dma source(%dma_start3A_220 : memref<80xi32, #tpu.memory_space<hbm>>) target(%arg14 : memref<80xi32, #tpu.memory_space<vmem>>) target_semaphore(%arg24 : memref<!tpu.dma_semaphore, #tpu.memory_space<semaphore_mem>>)
    } else {
    }
    %ge3A_51 = arith.constant 320000 : i32
    %ge3A_52 = arith.cmpi sge, %add3A_45, %ge3A_51 : i32
    %lt3A_53 = arith.constant 640000 : i32
    %lt3A_54 = arith.cmpi slt, %add3A_45, %lt3A_53 : i32
    %and3A_55 = arith.andi %ge3A_52, %lt3A_54 : i1
    %convert_element_type3A_56 = arith.extui %and3A_55 : i1 to i32
    %cond3A_57 = arith.constant 0 : i32
    %cond3A_58 = arith.cmpi ne, %convert_element_type3A_56, %cond3A_57 : i32
    scf.if %cond3A_58 {
      %sub3A = arith.constant 320000 : i32
      %sub3A_220 = arith.subi %add3A_45, %sub3A : i32
      %dma_start3A = tpu.memref_slice %arg3[%sub3A_220] : memref<640000xi32, #tpu.memory_space<hbm>> -> memref<80xi32, #tpu.memory_space<hbm>>
      %dma_start3A_221 = tpu.memref_slice %arg3[%sub3A_220] : memref<640000xi32, #tpu.memory_space<hbm>> -> memref<80xi32, #tpu.memory_space<hbm>>
      tpu.enqueue_dma source(%dma_start3A_221 : memref<80xi32, #tpu.memory_space<hbm>>) target(%arg14 : memref<80xi32, #tpu.memory_space<vmem>>) target_semaphore(%arg24 : memref<!tpu.dma_semaphore, #tpu.memory_space<semaphore_mem>>)
    } else {
    }
    %ge3A_59 = arith.constant 640000 : i32
    %ge3A_60 = arith.cmpi sge, %add3A_45, %ge3A_59 : i32
    %convert_element_type3A_61 = arith.extui %ge3A_60 : i1 to i32
    %cond3A_62 = arith.constant 0 : i32
    %cond3A_63 = arith.cmpi ne, %convert_element_type3A_61, %cond3A_62 : i32
    scf.if %cond3A_63 {
      %sub3A = arith.constant 640000 : i32
      %sub3A_220 = arith.subi %add3A_45, %sub3A : i32
      %dma_start3A = tpu.memref_slice %arg4[%sub3A_220] : memref<640000xi32, #tpu.memory_space<hbm>> -> memref<80xi32, #tpu.memory_space<hbm>>
      %dma_start3A_221 = tpu.memref_slice %arg4[%sub3A_220] : memref<640000xi32, #tpu.memory_space<hbm>> -> memref<80xi32, #tpu.memory_space<hbm>>
      tpu.enqueue_dma source(%dma_start3A_221 : memref<80xi32, #tpu.memory_space<hbm>>) target(%arg14 : memref<80xi32, #tpu.memory_space<vmem>>) target_semaphore(%arg24 : memref<!tpu.dma_semaphore, #tpu.memory_space<semaphore_mem>>)
    } else {
    }
    %mul3A_64 = arith.constant 30000 : i32
    %mul3A_65 = arith.muli %add3A, %mul3A_64 : i32
    %add3A_66 = arith.constant 0 : i32
    %add3A_67 = arith.addi %mul3A_65, %add3A_66 : i32
    %lt3A_68 = arith.constant 320000 : i32
    %lt3A_69 = arith.cmpi slt, %add3A_67, %lt3A_68 : i32
    %convert_element_type3A_70 = arith.extui %lt3A_69 : i1 to i32
    %cond3A_71 = arith.constant 0 : i32
    %cond3A_72 = arith.cmpi ne, %convert_element_type3A_70, %cond3A_71 : i32
    scf.if %cond3A_72 {
      %add3A_220 = arith.constant 320000 : i32
      %add3A_221 = arith.addi %add3A_220, %add3A_67 : i32
      %dma_start3A = tpu.memref_slice %arg2[%add3A_221] : memref<640000xi32, #tpu.memory_space<hbm>> -> memref<80xi32, #tpu.memory_space<hbm>>
      %dma_start3A_222 = tpu.memref_slice %arg2[%add3A_221] : memref<640000xi32, #tpu.memory_space<hbm>> -> memref<80xi32, #tpu.memory_space<hbm>>
      tpu.enqueue_dma source(%dma_start3A_222 : memref<80xi32, #tpu.memory_space<hbm>>) target(%arg15 : memref<80xi32, #tpu.memory_space<vmem>>) target_semaphore(%arg28 : memref<!tpu.dma_semaphore, #tpu.memory_space<semaphore_mem>>)
    } else {
    }
    %ge3A_73 = arith.constant 320000 : i32
    %ge3A_74 = arith.cmpi sge, %add3A_67, %ge3A_73 : i32
    %lt3A_75 = arith.constant 640000 : i32
    %lt3A_76 = arith.cmpi slt, %add3A_67, %lt3A_75 : i32
    %and3A_77 = arith.andi %ge3A_74, %lt3A_76 : i1
    %convert_element_type3A_78 = arith.extui %and3A_77 : i1 to i32
    %cond3A_79 = arith.constant 0 : i32
    %cond3A_80 = arith.cmpi ne, %convert_element_type3A_78, %cond3A_79 : i32
    scf.if %cond3A_80 {
      %sub3A = arith.constant 320000 : i32
      %sub3A_220 = arith.subi %add3A_67, %sub3A : i32
      %add3A_221 = arith.constant 320000 : i32
      %add3A_222 = arith.addi %add3A_221, %sub3A_220 : i32
      %dma_start3A = tpu.memref_slice %arg3[%add3A_222] : memref<640000xi32, #tpu.memory_space<hbm>> -> memref<80xi32, #tpu.memory_space<hbm>>
      %dma_start3A_223 = tpu.memref_slice %arg3[%add3A_222] : memref<640000xi32, #tpu.memory_space<hbm>> -> memref<80xi32, #tpu.memory_space<hbm>>
      tpu.enqueue_dma source(%dma_start3A_223 : memref<80xi32, #tpu.memory_space<hbm>>) target(%arg15 : memref<80xi32, #tpu.memory_space<vmem>>) target_semaphore(%arg28 : memref<!tpu.dma_semaphore, #tpu.memory_space<semaphore_mem>>)
    } else {
    }
    %ge3A_81 = arith.constant 640000 : i32
    %ge3A_82 = arith.cmpi sge, %add3A_67, %ge3A_81 : i32
    %convert_element_type3A_83 = arith.extui %ge3A_82 : i1 to i32
    %cond3A_84 = arith.constant 0 : i32
    %cond3A_85 = arith.cmpi ne, %convert_element_type3A_83, %cond3A_84 : i32
    scf.if %cond3A_85 {
      %sub3A = arith.constant 640000 : i32
      %sub3A_220 = arith.subi %add3A_67, %sub3A : i32
      %add3A_221 = arith.constant 320000 : i32
      %add3A_222 = arith.addi %add3A_221, %sub3A_220 : i32
      %dma_start3A = tpu.memref_slice %arg4[%add3A_222] : memref<640000xi32, #tpu.memory_space<hbm>> -> memref<80xi32, #tpu.memory_space<hbm>>
      %dma_start3A_223 = tpu.memref_slice %arg4[%add3A_222] : memref<640000xi32, #tpu.memory_space<hbm>> -> memref<80xi32, #tpu.memory_space<hbm>>
      tpu.enqueue_dma source(%dma_start3A_223 : memref<80xi32, #tpu.memory_space<hbm>>) target(%arg15 : memref<80xi32, #tpu.memory_space<vmem>>) target_semaphore(%arg28 : memref<!tpu.dma_semaphore, #tpu.memory_space<semaphore_mem>>)
    } else {
    }
    %mul3A_86 = arith.constant 30000 : i32
    %mul3A_87 = arith.muli %add3A, %mul3A_86 : i32
    %add3A_88 = arith.constant 80 : i32
    %add3A_89 = arith.addi %mul3A_87, %add3A_88 : i32
    %lt3A_90 = arith.constant 320000 : i32
    %lt3A_91 = arith.cmpi slt, %add3A_89, %lt3A_90 : i32
    %convert_element_type3A_92 = arith.extui %lt3A_91 : i1 to i32
    %cond3A_93 = arith.constant 0 : i32
    %cond3A_94 = arith.cmpi ne, %convert_element_type3A_92, %cond3A_93 : i32
    scf.if %cond3A_94 {
      %add3A_220 = arith.constant 320000 : i32
      %add3A_221 = arith.addi %add3A_220, %add3A_89 : i32
      %dma_start3A = tpu.memref_slice %arg2[%add3A_221] : memref<640000xi32, #tpu.memory_space<hbm>> -> memref<80xi32, #tpu.memory_space<hbm>>
      %dma_start3A_222 = tpu.memref_slice %arg2[%add3A_221] : memref<640000xi32, #tpu.memory_space<hbm>> -> memref<80xi32, #tpu.memory_space<hbm>>
      tpu.enqueue_dma source(%dma_start3A_222 : memref<80xi32, #tpu.memory_space<hbm>>) target(%arg16 : memref<80xi32, #tpu.memory_space<vmem>>) target_semaphore(%arg29 : memref<!tpu.dma_semaphore, #tpu.memory_space<semaphore_mem>>)
    } else {
    }
    %ge3A_95 = arith.constant 320000 : i32
    %ge3A_96 = arith.cmpi sge, %add3A_89, %ge3A_95 : i32
    %lt3A_97 = arith.constant 640000 : i32
    %lt3A_98 = arith.cmpi slt, %add3A_89, %lt3A_97 : i32
    %and3A_99 = arith.andi %ge3A_96, %lt3A_98 : i1
    %convert_element_type3A_100 = arith.extui %and3A_99 : i1 to i32
    %cond3A_101 = arith.constant 0 : i32
    %cond3A_102 = arith.cmpi ne, %convert_element_type3A_100, %cond3A_101 : i32
    scf.if %cond3A_102 {
      %sub3A = arith.constant 320000 : i32
      %sub3A_220 = arith.subi %add3A_89, %sub3A : i32
      %add3A_221 = arith.constant 320000 : i32
      %add3A_222 = arith.addi %add3A_221, %sub3A_220 : i32
      %dma_start3A = tpu.memref_slice %arg3[%add3A_222] : memref<640000xi32, #tpu.memory_space<hbm>> -> memref<80xi32, #tpu.memory_space<hbm>>
      %dma_start3A_223 = tpu.memref_slice %arg3[%add3A_222] : memref<640000xi32, #tpu.memory_space<hbm>> -> memref<80xi32, #tpu.memory_space<hbm>>
      tpu.enqueue_dma source(%dma_start3A_223 : memref<80xi32, #tpu.memory_space<hbm>>) target(%arg16 : memref<80xi32, #tpu.memory_space<vmem>>) target_semaphore(%arg29 : memref<!tpu.dma_semaphore, #tpu.memory_space<semaphore_mem>>)
    } else {
    }
    %ge3A_103 = arith.constant 640000 : i32
    %ge3A_104 = arith.cmpi sge, %add3A_89, %ge3A_103 : i32
    %convert_element_type3A_105 = arith.extui %ge3A_104 : i1 to i32
    %cond3A_106 = arith.constant 0 : i32
    %cond3A_107 = arith.cmpi ne, %convert_element_type3A_105, %cond3A_106 : i32
    scf.if %cond3A_107 {
      %sub3A = arith.constant 640000 : i32
      %sub3A_220 = arith.subi %add3A_89, %sub3A : i32
      %add3A_221 = arith.constant 320000 : i32
      %add3A_222 = arith.addi %add3A_221, %sub3A_220 : i32
      %dma_start3A = tpu.memref_slice %arg4[%add3A_222] : memref<640000xi32, #tpu.memory_space<hbm>> -> memref<80xi32, #tpu.memory_space<hbm>>
      %dma_start3A_223 = tpu.memref_slice %arg4[%add3A_222] : memref<640000xi32, #tpu.memory_space<hbm>> -> memref<80xi32, #tpu.memory_space<hbm>>
      tpu.enqueue_dma source(%dma_start3A_223 : memref<80xi32, #tpu.memory_space<hbm>>) target(%arg16 : memref<80xi32, #tpu.memory_space<vmem>>) target_semaphore(%arg29 : memref<!tpu.dma_semaphore, #tpu.memory_space<semaphore_mem>>)
    } else {
    }
    %eq3A = arith.constant 0 : i32
    %eq3A_108 = arith.cmpi eq, %arg0, %eq3A : i32
    %lt3A_109 = arith.constant 8 : i32
    %lt3A_110 = arith.cmpi slt, %arg1, %lt3A_109 : i32
    %ge3A_111 = arith.constant 8 : i32
    %ge3A_112 = arith.cmpi sge, %arg1, %ge3A_111 : i32
    %select_n3A = arith.select %eq3A_108, %lt3A_110, %ge3A_112 : i1
    %lt3A_113 = arith.constant 15 : i32
    %lt3A_114 = arith.cmpi slt, %arg1, %lt3A_113 : i32
    %and3A_115 = arith.andi %select_n3A, %lt3A_114 : i1
    %convert_element_type3A_116 = arith.extui %and3A_115 : i1 to i32
    %cond3A_117 = arith.constant 0 : i32
    %cond3A_118 = arith.cmpi ne, %convert_element_type3A_116, %cond3A_117 : i32
    scf.if %cond3A_118 {
      %dma_start3A = arith.constant 0 : i32
      %dma_start3A_220 = tpu.memref_slice %arg11[%mul3A_2, %dma_start3A] : memref<10240x128xf32, #tpu.memory_space<vmem_shared>> -> memref<640x128xf32, #tpu.memory_space<vmem_shared>>
      %dma_start3A_221 = arith.constant 0 : i32
      %dma_start3A_222 = tpu.memref_slice %arg8[%mul3A_2, %dma_start3A_221] : memref<10000x128xf32, #tpu.memory_space<hbm>> -> memref<640x128xf32, #tpu.memory_space<hbm>>
      tpu.enqueue_dma source(%dma_start3A_222 : memref<640x128xf32, #tpu.memory_space<hbm>>) target(%dma_start3A_220 : memref<640x128xf32, #tpu.memory_space<vmem_shared>>) target_semaphore(%arg25 : memref<!tpu.dma_semaphore, #tpu.memory_space<semaphore_mem>>)
      %dma_wait3A_223 = arith.constant 0 : i32
      %dma_wait3A_224 = tpu.memref_slice %arg11[%mul3A_2, %dma_wait3A_223] : memref<10240x128xf32, #tpu.memory_space<vmem_shared>> -> memref<640x128xf32, #tpu.memory_space<vmem_shared>>
      %dma_wait3A_225 = arith.constant 0 : i32
      %dma_wait3A_226 = tpu.memref_slice %arg8[%mul3A_2, %dma_wait3A_225] : memref<10000x128xf32, #tpu.memory_space<hbm>> -> memref<640x128xf32, #tpu.memory_space<hbm>>
      tpu.wait_dma2 semaphore(%arg25 : memref<!tpu.dma_semaphore, #tpu.memory_space<semaphore_mem>>) src(%dma_wait3A_226 : memref<640x128xf32, #tpu.memory_space<hbm>>) dst(%dma_wait3A_224 : memref<640x128xf32, #tpu.memory_space<vmem_shared>>)
    } else {
    }
    %eq3A_119 = arith.constant 15 : i32
    %eq3A_120 = arith.cmpi eq, %arg1, %eq3A_119 : i32
    %and3A_121 = arith.andi %select_n3A, %eq3A_120 : i1
    %convert_element_type3A_122 = arith.extui %and3A_121 : i1 to i32
    %cond3A_123 = arith.constant 0 : i32
    %cond3A_124 = arith.cmpi ne, %convert_element_type3A_122, %cond3A_123 : i32
    scf.if %cond3A_124 {
      %dma_start3A = arith.constant 0 : i32
      %dma_start3A_220 = tpu.memref_slice %arg11[%mul3A_2, %dma_start3A] : memref<10240x128xf32, #tpu.memory_space<vmem_shared>> -> memref<400x128xf32, #tpu.memory_space<vmem_shared>>
      %dma_start3A_221 = arith.constant 0 : i32
      %dma_start3A_222 = tpu.memref_slice %arg8[%mul3A_2, %dma_start3A_221] : memref<10000x128xf32, #tpu.memory_space<hbm>> -> memref<400x128xf32, #tpu.memory_space<hbm>>
      tpu.enqueue_dma source(%dma_start3A_222 : memref<400x128xf32, #tpu.memory_space<hbm>>) target(%dma_start3A_220 : memref<400x128xf32, #tpu.memory_space<vmem_shared>>) target_semaphore(%arg25 : memref<!tpu.dma_semaphore, #tpu.memory_space<semaphore_mem>>)
      %dma_wait3A_223 = arith.constant 0 : i32
      %dma_wait3A_224 = tpu.memref_slice %arg11[%mul3A_2, %dma_wait3A_223] : memref<10240x128xf32, #tpu.memory_space<vmem_shared>> -> memref<400x128xf32, #tpu.memory_space<vmem_shared>>
      %dma_wait3A_225 = arith.constant 0 : i32
      %dma_wait3A_226 = tpu.memref_slice %arg8[%mul3A_2, %dma_wait3A_225] : memref<10000x128xf32, #tpu.memory_space<hbm>> -> memref<400x128xf32, #tpu.memory_space<hbm>>
      tpu.wait_dma2 semaphore(%arg25 : memref<!tpu.dma_semaphore, #tpu.memory_space<semaphore_mem>>) src(%dma_wait3A_226 : memref<400x128xf32, #tpu.memory_space<hbm>>) dst(%dma_wait3A_224 : memref<400x128xf32, #tpu.memory_space<vmem_shared>>)
    } else {
    }
    %not3A = arith.constant true
    %not3A_125 = arith.xori %select_n3A, %not3A : i1
    %convert_element_type3A_126 = arith.extui %not3A_125 : i1 to i32
    %cond3A_127 = arith.constant 0 : i32
    %cond3A_128 = arith.cmpi ne, %convert_element_type3A_126, %cond3A_127 : i32
    scf.if %cond3A_128 {
      %broadcast_in_dim3A = arith.constant 0.000000e+00 : f32
      %broadcast_in_dim3A_220 = vector.broadcast %broadcast_in_dim3A : f32 to vector<16xf32>
      %scan3A_221 = arith.constant 0 : i32
      %scan3A_222 = arith.constant 0 : i32
      %scan3A_223 = arith.constant 64 : i32
      %scan3A_224 = arith.addi %scan3A_222, %scan3A_223 : i32
      %scan3A_225 = arith.constant 1 : i32
      scf.for %scan3A_247 = %scan3A_222 to %scan3A_224 step %scan3A_225  : i32 {
        %swap3A = arith.index_cast %scan3A_247 : i32 to index
        %swap3A_248 = arith.constant 0 : index
        %swap3A_249 = tpu.vector_load %arg21[%swap3A, %swap3A_248] {strides = array<i32>} : memref<64x128xf32, #tpu.memory_space<vmem>>, vector<1x16xf32>,
        %swap3A_250 = vector.shape_cast %swap3A_249 : vector<1x16xf32> to vector<16xf32>
        %swap3A_251 = vector.shape_cast %broadcast_in_dim3A_220 : vector<16xf32> to vector<1x16xf32>
        tpu.vector_store %arg21[%swap3A, %swap3A_248], %swap3A_251 {strides = array<i32>} : memref<64x128xf32, #tpu.memory_space<vmem>>, vector<1x16xf32>,
        %swap3A_252 = arith.index_cast %scan3A_247 : i32 to index
        %swap3A_253 = arith.constant 16 : index
        %swap3A_254 = tpu.vector_load %arg21[%swap3A_252, %swap3A_253] {strides = array<i32>} : memref<64x128xf32, #tpu.memory_space<vmem>>, vector<1x16xf32>,
        %swap3A_255 = vector.shape_cast %swap3A_254 : vector<1x16xf32> to vector<16xf32>
        %swap3A_256 = vector.shape_cast %broadcast_in_dim3A_220 : vector<16xf32> to vector<1x16xf32>
        tpu.vector_store %arg21[%swap3A_252, %swap3A_253], %swap3A_256 {strides = array<i32>} : memref<64x128xf32, #tpu.memory_space<vmem>>, vector<1x16xf32>,
        %swap3A_257 = arith.index_cast %scan3A_247 : i32 to index
        %swap3A_258 = arith.constant 32 : index
        %swap3A_259 = tpu.vector_load %arg21[%swap3A_257, %swap3A_258] {strides = array<i32>} : memref<64x128xf32, #tpu.memory_space<vmem>>, vector<1x16xf32>,
        %swap3A_260 = vector.shape_cast %swap3A_259 : vector<1x16xf32> to vector<16xf32>
        %swap3A_261 = vector.shape_cast %broadcast_in_dim3A_220 : vector<16xf32> to vector<1x16xf32>
        tpu.vector_store %arg21[%swap3A_257, %swap3A_258], %swap3A_261 {strides = array<i32>} : memref<64x128xf32, #tpu.memory_space<vmem>>, vector<1x16xf32>,
        %swap3A_262 = arith.index_cast %scan3A_247 : i32 to index
        %swap3A_263 = arith.constant 48 : index
        %swap3A_264 = tpu.vector_load %arg21[%swap3A_262, %swap3A_263] {strides = array<i32>} : memref<64x128xf32, #tpu.memory_space<vmem>>, vector<1x16xf32>,
        %swap3A_265 = vector.shape_cast %swap3A_264 : vector<1x16xf32> to vector<16xf32>
        %swap3A_266 = vector.shape_cast %broadcast_in_dim3A_220 : vector<16xf32> to vector<1x16xf32>
        tpu.vector_store %arg21[%swap3A_262, %swap3A_263], %swap3A_266 {strides = array<i32>} : memref<64x128xf32, #tpu.memory_space<vmem>>, vector<1x16xf32>,
        %swap3A_267 = arith.index_cast %scan3A_247 : i32 to index
        %swap3A_268 = arith.constant 64 : index
        %swap3A_269 = tpu.vector_load %arg21[%swap3A_267, %swap3A_268] {strides = array<i32>} : memref<64x128xf32, #tpu.memory_space<vmem>>, vector<1x16xf32>,
        %swap3A_270 = vector.shape_cast %swap3A_269 : vector<1x16xf32> to vector<16xf32>
        %swap3A_271 = vector.shape_cast %broadcast_in_dim3A_220 : vector<16xf32> to vector<1x16xf32>
        tpu.vector_store %arg21[%swap3A_267, %swap3A_268], %swap3A_271 {strides = array<i32>} : memref<64x128xf32, #tpu.memory_space<vmem>>, vector<1x16xf32>,
        %swap3A_272 = arith.index_cast %scan3A_247 : i32 to index
        %swap3A_273 = arith.constant 80 : index
        %swap3A_274 = tpu.vector_load %arg21[%swap3A_272, %swap3A_273] {strides = array<i32>} : memref<64x128xf32, #tpu.memory_space<vmem>>, vector<1x16xf32>,
        %swap3A_275 = vector.shape_cast %swap3A_274 : vector<1x16xf32> to vector<16xf32>
        %swap3A_276 = vector.shape_cast %broadcast_in_dim3A_220 : vector<16xf32> to vector<1x16xf32>
        tpu.vector_store %arg21[%swap3A_272, %swap3A_273], %swap3A_276 {strides = array<i32>} : memref<64x128xf32, #tpu.memory_space<vmem>>, vector<1x16xf32>,
        %swap3A_277 = arith.index_cast %scan3A_247 : i32 to index
        %swap3A_278 = arith.constant 96 : index
        %swap3A_279 = tpu.vector_load %arg21[%swap3A_277, %swap3A_278] {strides = array<i32>} : memref<64x128xf32, #tpu.memory_space<vmem>>, vector<1x16xf32>,
        %swap3A_280 = vector.shape_cast %swap3A_279 : vector<1x16xf32> to vector<16xf32>
        %swap3A_281 = vector.shape_cast %broadcast_in_dim3A_220 : vector<16xf32> to vector<1x16xf32>
        tpu.vector_store %arg21[%swap3A_277, %swap3A_278], %swap3A_281 {strides = array<i32>} : memref<64x128xf32, #tpu.memory_space<vmem>>, vector<1x16xf32>,
        %swap3A_282 = arith.index_cast %scan3A_247 : i32 to index
        %swap3A_283 = arith.constant 112 : index
        %swap3A_284 = tpu.vector_load %arg21[%swap3A_282, %swap3A_283] {strides = array<i32>} : memref<64x128xf32, #tpu.memory_space<vmem>>, vector<1x16xf32>,
        %swap3A_285 = vector.shape_cast %swap3A_284 : vector<1x16xf32> to vector<16xf32>
        %swap3A_286 = vector.shape_cast %broadcast_in_dim3A_220 : vector<16xf32> to vector<1x16xf32>
        tpu.vector_store %arg21[%swap3A_282, %swap3A_283], %swap3A_286 {strides = array<i32>} : memref<64x128xf32, #tpu.memory_space<vmem>>, vector<1x16xf32>,
      }
      %scan3A_226 = arith.constant 64 : i32
      %add3A_227 = arith.constant 0 : i32
      %add3A_228 = arith.addi %mul3A_2, %add3A_227 : i32
      "tpu.region"() ({
        %run_scoped3A = tpu.sem_alloc : memref<!tpu.dma_semaphore, #tpu.memory_space<semaphore_mem>>
        %dma_start3A = arith.constant 0 : i32
        %dma_start3A_247 = tpu.memref_slice %arg11[%add3A_228, %dma_start3A] : memref<10240x128xf32, #tpu.memory_space<vmem_shared>> -> memref<64x128xf32, #tpu.memory_space<vmem_shared>>
        %dma_start3A_248 = arith.constant 0 : i32
        %dma_start3A_249 = tpu.memref_slice %arg11[%add3A_228, %dma_start3A_248] : memref<10240x128xf32, #tpu.memory_space<vmem_shared>> -> memref<64x128xf32, #tpu.memory_space<vmem_shared>>
        tpu.enqueue_dma source(%arg21 : memref<64x128xf32, #tpu.memory_space<vmem>>) target(%dma_start3A_249 : memref<64x128xf32, #tpu.memory_space<vmem_shared>>) target_semaphore(%run_scoped3A : memref<!tpu.dma_semaphore, #tpu.memory_space<semaphore_mem>>)
        %dma_wait3A_250 = arith.constant 0 : i32
        %dma_wait3A_251 = tpu.memref_slice %arg11[%add3A_228, %dma_wait3A_250] : memref<10240x128xf32, #tpu.memory_space<vmem_shared>> -> memref<64x128xf32, #tpu.memory_space<vmem_shared>>
        %dma_wait3A_252 = arith.constant 0 : i32
        %dma_wait3A_253 = tpu.memref_slice %arg11[%add3A_228, %dma_wait3A_252] : memref<10240x128xf32, #tpu.memory_space<vmem_shared>> -> memref<64x128xf32, #tpu.memory_space<vmem_shared>>
        tpu.wait_dma2 semaphore(%run_scoped3A : memref<!tpu.dma_semaphore, #tpu.memory_space<semaphore_mem>>) src(%arg21 : memref<64x128xf32, #tpu.memory_space<vmem>>) dst(%dma_wait3A_253 : memref<64x128xf32, #tpu.memory_space<vmem_shared>>)
        tpu.yield
      }) : () -> ()
      %add3A_229 = arith.constant 64 : i32
      %add3A_230 = arith.addi %mul3A_2, %add3A_229 : i32
      "tpu.region"() ({
        %run_scoped3A = tpu.sem_alloc : memref<!tpu.dma_semaphore, #tpu.memory_space<semaphore_mem>>
        %dma_start3A = arith.constant 0 : i32
        %dma_start3A_247 = tpu.memref_slice %arg11[%add3A_230, %dma_start3A] : memref<10240x128xf32, #tpu.memory_space<vmem_shared>> -> memref<64x128xf32, #tpu.memory_space<vmem_shared>>
        %dma_start3A_248 = arith.constant 0 : i32
        %dma_start3A_249 = tpu.memref_slice %arg11[%add3A_230, %dma_start3A_248] : memref<10240x128xf32, #tpu.memory_space<vmem_shared>> -> memref<64x128xf32, #tpu.memory_space<vmem_shared>>
        tpu.enqueue_dma source(%arg21 : memref<64x128xf32, #tpu.memory_space<vmem>>) target(%dma_start3A_249 : memref<64x128xf32, #tpu.memory_space<vmem_shared>>) target_semaphore(%run_scoped3A : memref<!tpu.dma_semaphore, #tpu.memory_space<semaphore_mem>>)
        %dma_wait3A_250 = arith.constant 0 : i32
        %dma_wait3A_251 = tpu.memref_slice %arg11[%add3A_230, %dma_wait3A_250] : memref<10240x128xf32, #tpu.memory_space<vmem_shared>> -> memref<64x128xf32, #tpu.memory_space<vmem_shared>>
        %dma_wait3A_252 = arith.constant 0 : i32
        %dma_wait3A_253 = tpu.memref_slice %arg11[%add3A_230, %dma_wait3A_252] : memref<10240x128xf32, #tpu.memory_space<vmem_shared>> -> memref<64x128xf32, #tpu.memory_space<vmem_shared>>
        tpu.wait_dma2 semaphore(%run_scoped3A : memref<!tpu.dma_semaphore, #tpu.memory_space<semaphore_mem>>) src(%arg21 : memref<64x128xf32, #tpu.memory_space<vmem>>) dst(%dma_wait3A_253 : memref<64x128xf32, #tpu.memory_space<vmem_shared>>)
        tpu.yield
      }) : () -> ()
      %add3A_231 = arith.constant 128 : i32
      %add3A_232 = arith.addi %mul3A_2, %add3A_231 : i32
      "tpu.region"() ({
        %run_scoped3A = tpu.sem_alloc : memref<!tpu.dma_semaphore, #tpu.memory_space<semaphore_mem>>
        %dma_start3A = arith.constant 0 : i32
        %dma_start3A_247 = tpu.memref_slice %arg11[%add3A_232, %dma_start3A] : memref<10240x128xf32, #tpu.memory_space<vmem_shared>> -> memref<64x128xf32, #tpu.memory_space<vmem_shared>>
        %dma_start3A_248 = arith.constant 0 : i32
        %dma_start3A_249 = tpu.memref_slice %arg11[%add3A_232, %dma_start3A_248] : memref<10240x128xf32, #tpu.memory_space<vmem_shared>> -> memref<64x128xf32, #tpu.memory_space<vmem_shared>>
        tpu.enqueue_dma source(%arg21 : memref<64x128xf32, #tpu.memory_space<vmem>>) target(%dma_start3A_249 : memref<64x128xf32, #tpu.memory_space<vmem_shared>>) target_semaphore(%run_scoped3A : memref<!tpu.dma_semaphore, #tpu.memory_space<semaphore_mem>>)
        %dma_wait3A_250 = arith.constant 0 : i32
        %dma_wait3A_251 = tpu.memref_slice %arg11[%add3A_232, %dma_wait3A_250] : memref<10240x128xf32, #tpu.memory_space<vmem_shared>> -> memref<64x128xf32, #tpu.memory_space<vmem_shared>>
        %dma_wait3A_252 = arith.constant 0 : i32
        %dma_wait3A_253 = tpu.memref_slice %arg11[%add3A_232, %dma_wait3A_252] : memref<10240x128xf32, #tpu.memory_space<vmem_shared>> -> memref<64x128xf32, #tpu.memory_space<vmem_shared>>
        tpu.wait_dma2 semaphore(%run_scoped3A : memref<!tpu.dma_semaphore, #tpu.memory_space<semaphore_mem>>) src(%arg21 : memref<64x128xf32, #tpu.memory_space<vmem>>) dst(%dma_wait3A_253 : memref<64x128xf32, #tpu.memory_space<vmem_shared>>)
        tpu.yield
      }) : () -> ()
      %add3A_233 = arith.constant 192 : i32
      %add3A_234 = arith.addi %mul3A_2, %add3A_233 : i32
      "tpu.region"() ({
        %run_scoped3A = tpu.sem_alloc : memref<!tpu.dma_semaphore, #tpu.memory_space<semaphore_mem>>
        %dma_start3A = arith.constant 0 : i32
        %dma_start3A_247 = tpu.memref_slice %arg11[%add3A_234, %dma_start3A] : memref<10240x128xf32, #tpu.memory_space<vmem_shared>> -> memref<64x128xf32, #tpu.memory_space<vmem_shared>>
        %dma_start3A_248 = arith.constant 0 : i32
        %dma_start3A_249 = tpu.memref_slice %arg11[%add3A_234, %dma_start3A_248] : memref<10240x128xf32, #tpu.memory_space<vmem_shared>> -> memref<64x128xf32, #tpu.memory_space<vmem_shared>>
        tpu.enqueue_dma source(%arg21 : memref<64x128xf32, #tpu.memory_space<vmem>>) target(%dma_start3A_249 : memref<64x128xf32, #tpu.memory_space<vmem_shared>>) target_semaphore(%run_scoped3A : memref<!tpu.dma_semaphore, #tpu.memory_space<semaphore_mem>>)
        %dma_wait3A_250 = arith.constant 0 : i32
        %dma_wait3A_251 = tpu.memref_slice %arg11[%add3A_234, %dma_wait3A_250] : memref<10240x128xf32, #tpu.memory_space<vmem_shared>> -> memref<64x128xf32, #tpu.memory_space<vmem_shared>>
        %dma_wait3A_252 = arith.constant 0 : i32
        %dma_wait3A_253 = tpu.memref_slice %arg11[%add3A_234, %dma_wait3A_252] : memref<10240x128xf32, #tpu.memory_space<vmem_shared>> -> memref<64x128xf32, #tpu.memory_space<vmem_shared>>
        tpu.wait_dma2 semaphore(%run_scoped3A : memref<!tpu.dma_semaphore, #tpu.memory_space<semaphore_mem>>) src(%arg21 : memref<64x128xf32, #tpu.memory_space<vmem>>) dst(%dma_wait3A_253 : memref<64x128xf32, #tpu.memory_space<vmem_shared>>)
        tpu.yield
      }) : () -> ()
      %add3A_235 = arith.constant 256 : i32
      %add3A_236 = arith.addi %mul3A_2, %add3A_235 : i32
      "tpu.region"() ({
        %run_scoped3A = tpu.sem_alloc : memref<!tpu.dma_semaphore, #tpu.memory_space<semaphore_mem>>
        %dma_start3A = arith.constant 0 : i32
        %dma_start3A_247 = tpu.memref_slice %arg11[%add3A_236, %dma_start3A] : memref<10240x128xf32, #tpu.memory_space<vmem_shared>> -> memref<64x128xf32, #tpu.memory_space<vmem_shared>>
        %dma_start3A_248 = arith.constant 0 : i32
        %dma_start3A_249 = tpu.memref_slice %arg11[%add3A_236, %dma_start3A_248] : memref<10240x128xf32, #tpu.memory_space<vmem_shared>> -> memref<64x128xf32, #tpu.memory_space<vmem_shared>>
        tpu.enqueue_dma source(%arg21 : memref<64x128xf32, #tpu.memory_space<vmem>>) target(%dma_start3A_249 : memref<64x128xf32, #tpu.memory_space<vmem_shared>>) target_semaphore(%run_scoped3A : memref<!tpu.dma_semaphore, #tpu.memory_space<semaphore_mem>>)
        %dma_wait3A_250 = arith.constant 0 : i32
        %dma_wait3A_251 = tpu.memref_slice %arg11[%add3A_236, %dma_wait3A_250] : memref<10240x128xf32, #tpu.memory_space<vmem_shared>> -> memref<64x128xf32, #tpu.memory_space<vmem_shared>>
        %dma_wait3A_252 = arith.constant 0 : i32
        %dma_wait3A_253 = tpu.memref_slice %arg11[%add3A_236, %dma_wait3A_252] : memref<10240x128xf32, #tpu.memory_space<vmem_shared>> -> memref<64x128xf32, #tpu.memory_space<vmem_shared>>
        tpu.wait_dma2 semaphore(%run_scoped3A : memref<!tpu.dma_semaphore, #tpu.memory_space<semaphore_mem>>) src(%arg21 : memref<64x128xf32, #tpu.memory_space<vmem>>) dst(%dma_wait3A_253 : memref<64x128xf32, #tpu.memory_space<vmem_shared>>)
        tpu.yield
      }) : () -> ()
      %add3A_237 = arith.constant 320 : i32
      %add3A_238 = arith.addi %mul3A_2, %add3A_237 : i32
      "tpu.region"() ({
        %run_scoped3A = tpu.sem_alloc : memref<!tpu.dma_semaphore, #tpu.memory_space<semaphore_mem>>
        %dma_start3A = arith.constant 0 : i32
        %dma_start3A_247 = tpu.memref_slice %arg11[%add3A_238, %dma_start3A] : memref<10240x128xf32, #tpu.memory_space<vmem_shared>> -> memref<64x128xf32, #tpu.memory_space<vmem_shared>>
        %dma_start3A_248 = arith.constant 0 : i32
        %dma_start3A_249 = tpu.memref_slice %arg11[%add3A_238, %dma_start3A_248] : memref<10240x128xf32, #tpu.memory_space<vmem_shared>> -> memref<64x128xf32, #tpu.memory_space<vmem_shared>>
        tpu.enqueue_dma source(%arg21 : memref<64x128xf32, #tpu.memory_space<vmem>>) target(%dma_start3A_249 : memref<64x128xf32, #tpu.memory_space<vmem_shared>>) target_semaphore(%run_scoped3A : memref<!tpu.dma_semaphore, #tpu.memory_space<semaphore_mem>>)
        %dma_wait3A_250 = arith.constant 0 : i32
        %dma_wait3A_251 = tpu.memref_slice %arg11[%add3A_238, %dma_wait3A_250] : memref<10240x128xf32, #tpu.memory_space<vmem_shared>> -> memref<64x128xf32, #tpu.memory_space<vmem_shared>>
        %dma_wait3A_252 = arith.constant 0 : i32
        %dma_wait3A_253 = tpu.memref_slice %arg11[%add3A_238, %dma_wait3A_252] : memref<10240x128xf32, #tpu.memory_space<vmem_shared>> -> memref<64x128xf32, #tpu.memory_space<vmem_shared>>
        tpu.wait_dma2 semaphore(%run_scoped3A : memref<!tpu.dma_semaphore, #tpu.memory_space<semaphore_mem>>) src(%arg21 : memref<64x128xf32, #tpu.memory_space<vmem>>) dst(%dma_wait3A_253 : memref<64x128xf32, #tpu.memory_space<vmem_shared>>)
        tpu.yield
      }) : () -> ()
      %add3A_239 = arith.constant 384 : i32
      %add3A_240 = arith.addi %mul3A_2, %add3A_239 : i32
      "tpu.region"() ({
        %run_scoped3A = tpu.sem_alloc : memref<!tpu.dma_semaphore, #tpu.memory_space<semaphore_mem>>
        %dma_start3A = arith.constant 0 : i32
        %dma_start3A_247 = tpu.memref_slice %arg11[%add3A_240, %dma_start3A] : memref<10240x128xf32, #tpu.memory_space<vmem_shared>> -> memref<64x128xf32, #tpu.memory_space<vmem_shared>>
        %dma_start3A_248 = arith.constant 0 : i32
        %dma_start3A_249 = tpu.memref_slice %arg11[%add3A_240, %dma_start3A_248] : memref<10240x128xf32, #tpu.memory_space<vmem_shared>> -> memref<64x128xf32, #tpu.memory_space<vmem_shared>>
        tpu.enqueue_dma source(%arg21 : memref<64x128xf32, #tpu.memory_space<vmem>>) target(%dma_start3A_249 : memref<64x128xf32, #tpu.memory_space<vmem_shared>>) target_semaphore(%run_scoped3A : memref<!tpu.dma_semaphore, #tpu.memory_space<semaphore_mem>>)
        %dma_wait3A_250 = arith.constant 0 : i32
        %dma_wait3A_251 = tpu.memref_slice %arg11[%add3A_240, %dma_wait3A_250] : memref<10240x128xf32, #tpu.memory_space<vmem_shared>> -> memref<64x128xf32, #tpu.memory_space<vmem_shared>>
        %dma_wait3A_252 = arith.constant 0 : i32
        %dma_wait3A_253 = tpu.memref_slice %arg11[%add3A_240, %dma_wait3A_252] : memref<10240x128xf32, #tpu.memory_space<vmem_shared>> -> memref<64x128xf32, #tpu.memory_space<vmem_shared>>
        tpu.wait_dma2 semaphore(%run_scoped3A : memref<!tpu.dma_semaphore, #tpu.memory_space<semaphore_mem>>) src(%arg21 : memref<64x128xf32, #tpu.memory_space<vmem>>) dst(%dma_wait3A_253 : memref<64x128xf32, #tpu.memory_space<vmem_shared>>)
        tpu.yield
      }) : () -> ()
      %add3A_241 = arith.constant 448 : i32
      %add3A_242 = arith.addi %mul3A_2, %add3A_241 : i32
      "tpu.region"() ({
        %run_scoped3A = tpu.sem_alloc : memref<!tpu.dma_semaphore, #tpu.memory_space<semaphore_mem>>
        %dma_start3A = arith.constant 0 : i32
        %dma_start3A_247 = tpu.memref_slice %arg11[%add3A_242, %dma_start3A] : memref<10240x128xf32, #tpu.memory_space<vmem_shared>> -> memref<64x128xf32, #tpu.memory_space<vmem_shared>>
        %dma_start3A_248 = arith.constant 0 : i32
        %dma_start3A_249 = tpu.memref_slice %arg11[%add3A_242, %dma_start3A_248] : memref<10240x128xf32, #tpu.memory_space<vmem_shared>> -> memref<64x128xf32, #tpu.memory_space<vmem_shared>>
        tpu.enqueue_dma source(%arg21 : memref<64x128xf32, #tpu.memory_space<vmem>>) target(%dma_start3A_249 : memref<64x128xf32, #tpu.memory_space<vmem_shared>>) target_semaphore(%run_scoped3A : memref<!tpu.dma_semaphore, #tpu.memory_space<semaphore_mem>>)
        %dma_wait3A_250 = arith.constant 0 : i32
        %dma_wait3A_251 = tpu.memref_slice %arg11[%add3A_242, %dma_wait3A_250] : memref<10240x128xf32, #tpu.memory_space<vmem_shared>> -> memref<64x128xf32, #tpu.memory_space<vmem_shared>>
        %dma_wait3A_252 = arith.constant 0 : i32
        %dma_wait3A_253 = tpu.memref_slice %arg11[%add3A_242, %dma_wait3A_252] : memref<10240x128xf32, #tpu.memory_space<vmem_shared>> -> memref<64x128xf32, #tpu.memory_space<vmem_shared>>
        tpu.wait_dma2 semaphore(%run_scoped3A : memref<!tpu.dma_semaphore, #tpu.memory_space<semaphore_mem>>) src(%arg21 : memref<64x128xf32, #tpu.memory_space<vmem>>) dst(%dma_wait3A_253 : memref<64x128xf32, #tpu.memory_space<vmem_shared>>)
        tpu.yield
      }) : () -> ()
      %add3A_243 = arith.constant 512 : i32
      %add3A_244 = arith.addi %mul3A_2, %add3A_243 : i32
      "tpu.region"() ({
        %run_scoped3A = tpu.sem_alloc : memref<!tpu.dma_semaphore, #tpu.memory_space<semaphore_mem>>
        %dma_start3A = arith.constant 0 : i32
        %dma_start3A_247 = tpu.memref_slice %arg11[%add3A_244, %dma_start3A] : memref<10240x128xf32, #tpu.memory_space<vmem_shared>> -> memref<64x128xf32, #tpu.memory_space<vmem_shared>>
        %dma_start3A_248 = arith.constant 0 : i32
        %dma_start3A_249 = tpu.memref_slice %arg11[%add3A_244, %dma_start3A_248] : memref<10240x128xf32, #tpu.memory_space<vmem_shared>> -> memref<64x128xf32, #tpu.memory_space<vmem_shared>>
        tpu.enqueue_dma source(%arg21 : memref<64x128xf32, #tpu.memory_space<vmem>>) target(%dma_start3A_249 : memref<64x128xf32, #tpu.memory_space<vmem_shared>>) target_semaphore(%run_scoped3A : memref<!tpu.dma_semaphore, #tpu.memory_space<semaphore_mem>>)
        %dma_wait3A_250 = arith.constant 0 : i32
        %dma_wait3A_251 = tpu.memref_slice %arg11[%add3A_244, %dma_wait3A_250] : memref<10240x128xf32, #tpu.memory_space<vmem_shared>> -> memref<64x128xf32, #tpu.memory_space<vmem_shared>>
        %dma_wait3A_252 = arith.constant 0 : i32
        %dma_wait3A_253 = tpu.memref_slice %arg11[%add3A_244, %dma_wait3A_252] : memref<10240x128xf32, #tpu.memory_space<vmem_shared>> -> memref<64x128xf32, #tpu.memory_space<vmem_shared>>
        tpu.wait_dma2 semaphore(%run_scoped3A : memref<!tpu.dma_semaphore, #tpu.memory_space<semaphore_mem>>) src(%arg21 : memref<64x128xf32, #tpu.memory_space<vmem>>) dst(%dma_wait3A_253 : memref<64x128xf32, #tpu.memory_space<vmem_shared>>)
        tpu.yield
      }) : () -> ()
      %add3A_245 = arith.constant 576 : i32
      %add3A_246 = arith.addi %mul3A_2, %add3A_245 : i32
      "tpu.region"() ({
        %run_scoped3A = tpu.sem_alloc : memref<!tpu.dma_semaphore, #tpu.memory_space<semaphore_mem>>
        %dma_start3A = arith.constant 0 : i32
        %dma_start3A_247 = tpu.memref_slice %arg11[%add3A_246, %dma_start3A] : memref<10240x128xf32, #tpu.memory_space<vmem_shared>> -> memref<64x128xf32, #tpu.memory_space<vmem_shared>>
        %dma_start3A_248 = arith.constant 0 : i32
        %dma_start3A_249 = tpu.memref_slice %arg11[%add3A_246, %dma_start3A_248] : memref<10240x128xf32, #tpu.memory_space<vmem_shared>> -> memref<64x128xf32, #tpu.memory_space<vmem_shared>>
        tpu.enqueue_dma source(%arg21 : memref<64x128xf32, #tpu.memory_space<vmem>>) target(%dma_start3A_249 : memref<64x128xf32, #tpu.memory_space<vmem_shared>>) target_semaphore(%run_scoped3A : memref<!tpu.dma_semaphore, #tpu.memory_space<semaphore_mem>>)
        %dma_wait3A_250 = arith.constant 0 : i32
        %dma_wait3A_251 = tpu.memref_slice %arg11[%add3A_246, %dma_wait3A_250] : memref<10240x128xf32, #tpu.memory_space<vmem_shared>> -> memref<64x128xf32, #tpu.memory_space<vmem_shared>>
        %dma_wait3A_252 = arith.constant 0 : i32
        %dma_wait3A_253 = tpu.memref_slice %arg11[%add3A_246, %dma_wait3A_252] : memref<10240x128xf32, #tpu.memory_space<vmem_shared>> -> memref<64x128xf32, #tpu.memory_space<vmem_shared>>
        tpu.wait_dma2 semaphore(%run_scoped3A : memref<!tpu.dma_semaphore, #tpu.memory_space<semaphore_mem>>) src(%arg21 : memref<64x128xf32, #tpu.memory_space<vmem>>) dst(%dma_wait3A_253 : memref<64x128xf32, #tpu.memory_space<vmem_shared>>)
        tpu.yield
      }) : () -> ()
    } else {
    }
    %barrier3A = arith.constant 0 : index
    tpu.barrier barrier_id(%barrier3A)
    %dma_wait3A = arith.constant 0 : i32
    %dma_wait3A_129 = tpu.memref_slice %arg2[%dma_wait3A] : memref<640000xi32, #tpu.memory_space<hbm>> -> memref<80xi32, #tpu.memory_space<hbm>>
    %dma_wait3A_130 = arith.constant 0 : i32
    %dma_wait3A_131 = tpu.memref_slice %arg2[%dma_wait3A_130] : memref<640000xi32, #tpu.memory_space<hbm>> -> memref<80xi32, #tpu.memory_space<hbm>>
    tpu.wait_dma2 semaphore(%arg22 : memref<!tpu.dma_semaphore, #tpu.memory_space<semaphore_mem>>) src(%dma_wait3A_131 : memref<80xi32, #tpu.memory_space<hbm>>) dst(%arg12 : memref<80xi32, #tpu.memory_space<vmem>>)
    %mul3A_132 = arith.constant 30000 : i32
    %mul3A_133 = arith.muli %add3A, %mul3A_132 : i32
    %add3A_134 = arith.constant 0 : i32
    %add3A_135 = arith.addi %mul3A_133, %add3A_134 : i32
    %lt3A_136 = arith.constant 320000 : i32
    %lt3A_137 = arith.cmpi slt, %add3A_135, %lt3A_136 : i32
    %convert_element_type3A_138 = arith.extui %lt3A_137 : i1 to i32
    %cond3A_139 = arith.constant 0 : i32
    %cond3A_140 = arith.cmpi ne, %convert_element_type3A_138, %cond3A_139 : i32
    scf.if %cond3A_140 {
      %dma_start3A = arith.constant 0 : i32
      %dma_start3A_220 = arith.constant 0 : i32
      %dma_start3A_221 = tpu.memref_slice %arg5[%dma_start3A, %dma_start3A_220] : memref<10000x128xf32, #tpu.memory_space<hbm>> -> memref<10000x128xf32, #tpu.memory_space<hbm>>
      tpu.enqueue_indirect_dma source(%dma_start3A_221 : memref<10000x128xf32, #tpu.memory_space<hbm>>) target(%arg18 : memref<80x128xf32, #tpu.memory_space<vmem>>) offsets(%arg12 : memref<80xi32, #tpu.memory_space<vmem>>) semaphore(%arg25 : memref<!tpu.dma_semaphore, #tpu.memory_space<semaphore_mem>>)
    } else {
    }
    %ge3A_141 = arith.constant 320000 : i32
    %ge3A_142 = arith.cmpi sge, %add3A_135, %ge3A_141 : i32
    %lt3A_143 = arith.constant 640000 : i32
    %lt3A_144 = arith.cmpi slt, %add3A_135, %lt3A_143 : i32
    %and3A_145 = arith.andi %ge3A_142, %lt3A_144 : i1
    %convert_element_type3A_146 = arith.extui %and3A_145 : i1 to i32
    %cond3A_147 = arith.constant 0 : i32
    %cond3A_148 = arith.cmpi ne, %convert_element_type3A_146, %cond3A_147 : i32
    scf.if %cond3A_148 {
      %sub3A = arith.constant 320000 : i32
      %sub3A_220 = arith.subi %add3A_135, %sub3A : i32
      %dma_start3A = arith.constant 0 : i32
      %dma_start3A_221 = arith.constant 0 : i32
      %dma_start3A_222 = tpu.memref_slice %arg6[%dma_start3A, %dma_start3A_221] : memref<10000x128xf32, #tpu.memory_space<hbm>> -> memref<10000x128xf32, #tpu.memory_space<hbm>>
      tpu.enqueue_indirect_dma source(%dma_start3A_222 : memref<10000x128xf32, #tpu.memory_space<hbm>>) target(%arg18 : memref<80x128xf32, #tpu.memory_space<vmem>>) offsets(%arg12 : memref<80xi32, #tpu.memory_space<vmem>>) semaphore(%arg25 : memref<!tpu.dma_semaphore, #tpu.memory_space<semaphore_mem>>)
    } else {
    }
    %ge3A_149 = arith.constant 640000 : i32
    %ge3A_150 = arith.cmpi sge, %add3A_135, %ge3A_149 : i32
    %convert_element_type3A_151 = arith.extui %ge3A_150 : i1 to i32
    %cond3A_152 = arith.constant 0 : i32
    %cond3A_153 = arith.cmpi ne, %convert_element_type3A_151, %cond3A_152 : i32
    scf.if %cond3A_153 {
      %sub3A = arith.constant 640000 : i32
      %sub3A_220 = arith.subi %add3A_135, %sub3A : i32
      %dma_start3A = arith.constant 0 : i32
      %dma_start3A_221 = arith.constant 0 : i32
      %dma_start3A_222 = tpu.memref_slice %arg7[%dma_start3A, %dma_start3A_221] : memref<10000x128xf32, #tpu.memory_space<hbm>> -> memref<10000x128xf32, #tpu.memory_space<hbm>>
      tpu.enqueue_indirect_dma source(%dma_start3A_222 : memref<10000x128xf32, #tpu.memory_space<hbm>>) target(%arg18 : memref<80x128xf32, #tpu.memory_space<vmem>>) offsets(%arg12 : memref<80xi32, #tpu.memory_space<vmem>>) semaphore(%arg25 : memref<!tpu.dma_semaphore, #tpu.memory_space<semaphore_mem>>)
    } else {
    }
    %dma_wait3A_154 = arith.constant 0 : i32
    %dma_wait3A_155 = tpu.memref_slice %arg2[%dma_wait3A_154] : memref<640000xi32, #tpu.memory_space<hbm>> -> memref<80xi32, #tpu.memory_space<hbm>>
    %dma_wait3A_156 = arith.constant 0 : i32
    %dma_wait3A_157 = tpu.memref_slice %arg2[%dma_wait3A_156] : memref<640000xi32, #tpu.memory_space<hbm>> -> memref<80xi32, #tpu.memory_space<hbm>>
    tpu.wait_dma2 semaphore(%arg23 : memref<!tpu.dma_semaphore, #tpu.memory_space<semaphore_mem>>) src(%dma_wait3A_157 : memref<80xi32, #tpu.memory_space<hbm>>) dst(%arg13 : memref<80xi32, #tpu.memory_space<vmem>>)
    %mul3A_158 = arith.constant 30000 : i32
    %mul3A_159 = arith.muli %add3A, %mul3A_158 : i32
    %add3A_160 = arith.constant 80 : i32
    %add3A_161 = arith.addi %mul3A_159, %add3A_160 : i32
    %lt3A_162 = arith.constant 320000 : i32
    %lt3A_163 = arith.cmpi slt, %add3A_161, %lt3A_162 : i32
    %convert_element_type3A_164 = arith.extui %lt3A_163 : i1 to i32
    %cond3A_165 = arith.constant 0 : i32
    %cond3A_166 = arith.cmpi ne, %convert_element_type3A_164, %cond3A_165 : i32
    scf.if %cond3A_166 {
      %dma_start3A = arith.constant 0 : i32
      %dma_start3A_220 = arith.constant 0 : i32
      %dma_start3A_221 = tpu.memref_slice %arg5[%dma_start3A, %dma_start3A_220] : memref<10000x128xf32, #tpu.memory_space<hbm>> -> memref<10000x128xf32, #tpu.memory_space<hbm>>
      tpu.enqueue_indirect_dma source(%dma_start3A_221 : memref<10000x128xf32, #tpu.memory_space<hbm>>) target(%arg19 : memref<80x128xf32, #tpu.memory_space<vmem>>) offsets(%arg13 : memref<80xi32, #tpu.memory_space<vmem>>) semaphore(%arg26 : memref<!tpu.dma_semaphore, #tpu.memory_space<semaphore_mem>>)
    } else {
    }
    %ge3A_167 = arith.constant 320000 : i32
    %ge3A_168 = arith.cmpi sge, %add3A_161, %ge3A_167 : i32
    %lt3A_169 = arith.constant 640000 : i32
    %lt3A_170 = arith.cmpi slt, %add3A_161, %lt3A_169 : i32
    %and3A_171 = arith.andi %ge3A_168, %lt3A_170 : i1
    %convert_element_type3A_172 = arith.extui %and3A_171 : i1 to i32
    %cond3A_173 = arith.constant 0 : i32
    %cond3A_174 = arith.cmpi ne, %convert_element_type3A_172, %cond3A_173 : i32
    scf.if %cond3A_174 {
      %sub3A = arith.constant 320000 : i32
      %sub3A_220 = arith.subi %add3A_161, %sub3A : i32
      %dma_start3A = arith.constant 0 : i32
      %dma_start3A_221 = arith.constant 0 : i32
      %dma_start3A_222 = tpu.memref_slice %arg6[%dma_start3A, %dma_start3A_221] : memref<10000x128xf32, #tpu.memory_space<hbm>> -> memref<10000x128xf32, #tpu.memory_space<hbm>>
      tpu.enqueue_indirect_dma source(%dma_start3A_222 : memref<10000x128xf32, #tpu.memory_space<hbm>>) target(%arg19 : memref<80x128xf32, #tpu.memory_space<vmem>>) offsets(%arg13 : memref<80xi32, #tpu.memory_space<vmem>>) semaphore(%arg26 : memref<!tpu.dma_semaphore, #tpu.memory_space<semaphore_mem>>)
    } else {
    }
    %ge3A_175 = arith.constant 640000 : i32
    %ge3A_176 = arith.cmpi sge, %add3A_161, %ge3A_175 : i32
    %convert_element_type3A_177 = arith.extui %ge3A_176 : i1 to i32
    %cond3A_178 = arith.constant 0 : i32
    %cond3A_179 = arith.cmpi ne, %convert_element_type3A_177, %cond3A_178 : i32
    scf.if %cond3A_179 {
      %sub3A = arith.constant 640000 : i32
      %sub3A_220 = arith.subi %add3A_161, %sub3A : i32
      %dma_start3A = arith.constant 0 : i32
      %dma_start3A_221 = arith.constant 0 : i32
      %dma_start3A_222 = tpu.memref_slice %arg7[%dma_start3A, %dma_start3A_221] : memref<10000x128xf32, #tpu.memory_space<hbm>> -> memref<10000x128xf32, #tpu.memory_space<hbm>>
      tpu.enqueue_indirect_dma source(%dma_start3A_222 : memref<10000x128xf32, #tpu.memory_space<hbm>>) target(%arg19 : memref<80x128xf32, #tpu.memory_space<vmem>>) offsets(%arg13 : memref<80xi32, #tpu.memory_space<vmem>>) semaphore(%arg26 : memref<!tpu.dma_semaphore, #tpu.memory_space<semaphore_mem>>)
    } else {
    }
    %scan3A = arith.constant 0 : i32
    %scan3A_180 = arith.constant 0 : i32
    %scan3A_181 = arith.constant 125 : i32
    %scan3A_182 = arith.addi %scan3A_180, %scan3A_181 : i32
    %scan3A_183 = arith.constant 1 : i32
    scf.for %scan3A_220 = %scan3A_180 to %scan3A_182 step %scan3A_183  : i32 {
      %mul3A_221 = arith.constant 3 : i32
      %mul3A_222 = arith.muli %mul3A_221, %scan3A_220 : i32
      %dma_wait3A_223 = arith.constant 0 : i32
      %dma_wait3A_224 = arith.constant 0 : i32
      %dma_wait3A_225 = tpu.memref_slice %arg5[%dma_wait3A_223, %dma_wait3A_224] : memref<10000x128xf32, #tpu.memory_space<hbm>> -> memref<80x128xf32, #tpu.memory_space<hbm>>
      %dma_wait3A_226 = arith.constant 0 : i32
      %dma_wait3A_227 = arith.constant 0 : i32
      %dma_wait3A_228 = tpu.memref_slice %arg5[%dma_wait3A_226, %dma_wait3A_227] : memref<10000x128xf32, #tpu.memory_space<hbm>> -> memref<80x128xf32, #tpu.memory_space<hbm>>
      tpu.wait_dma2 semaphore(%arg25 : memref<!tpu.dma_semaphore, #tpu.memory_space<semaphore_mem>>) src(%dma_wait3A_228 : memref<80x128xf32, #tpu.memory_space<hbm>>) dst(%arg18 : memref<80x128xf32, #tpu.memory_space<vmem>>)
      %dma_wait3A_229 = arith.constant 0 : i32
      %dma_wait3A_230 = tpu.memref_slice %arg2[%dma_wait3A_229] : memref<640000xi32, #tpu.memory_space<hbm>> -> memref<80xi32, #tpu.memory_space<hbm>>
      %dma_wait3A_231 = arith.constant 0 : i32
      %dma_wait3A_232 = tpu.memref_slice %arg2[%dma_wait3A_231] : memref<640000xi32, #tpu.memory_space<hbm>> -> memref<80xi32, #tpu.memory_space<hbm>>
      tpu.wait_dma2 semaphore(%arg28 : memref<!tpu.dma_semaphore, #tpu.memory_space<semaphore_mem>>) src(%dma_wait3A_232 : memref<80xi32, #tpu.memory_space<hbm>>) dst(%arg15 : memref<80xi32, #tpu.memory_space<vmem>>)
      "tpu.region"() ({
        %run_scoped3A = tpu.sem_alloc : memref<!tpu.dma_semaphore, #tpu.memory_space<semaphore_mem>>
        %dma_start3A = arith.constant 0 : i32
        %dma_start3A_307 = arith.constant 0 : i32
        %dma_start3A_308 = tpu.memref_slice %arg11[%dma_start3A, %dma_start3A_307] : memref<10240x128xf32, #tpu.memory_space<vmem_shared>> -> memref<10240x128xf32, #tpu.memory_space<vmem_shared>>
        tpu.enqueue_indirect_dma source(%arg18 : memref<80x128xf32, #tpu.memory_space<vmem>>) target(%dma_start3A_308 : memref<10240x128xf32, #tpu.memory_space<vmem_shared>>) offsets(%arg15 : memref<80xi32, #tpu.memory_space<vmem>>) semaphore(%run_scoped3A : memref<!tpu.dma_semaphore, #tpu.memory_space<semaphore_mem>>) {add = true}
        %dma_wait3A_309 = arith.constant 0 : i32
        %dma_wait3A_310 = arith.constant 0 : i32
        %dma_wait3A_311 = tpu.memref_slice %arg11[%dma_wait3A_309, %dma_wait3A_310] : memref<10240x128xf32, #tpu.memory_space<vmem_shared>> -> memref<10240x128xf32, #tpu.memory_space<vmem_shared>>
        tpu.wait_indirect_dma semaphore(%run_scoped3A : memref<!tpu.dma_semaphore, #tpu.memory_space<semaphore_mem>>) src(%arg18 : memref<80x128xf32, #tpu.memory_space<vmem>>) dst(%dma_wait3A_311 : memref<10240x128xf32, #tpu.memory_space<vmem_shared>>)
        tpu.yield
      }) : () -> ()
      %add3A_233 = arith.constant 0 : i32
      %add3A_234 = arith.addi %mul3A_222, %add3A_233 : i32
      %add3A_235 = arith.constant 3 : i32
      %add3A_236 = arith.addi %add3A_234, %add3A_235 : i32
      %lt3A_237 = arith.constant 375 : i32
      %lt3A_238 = arith.cmpi slt, %add3A_236, %lt3A_237 : i32
      %convert_element_type3A_239 = arith.extui %lt3A_238 : i1 to i32
      %cond3A_240 = arith.constant 0 : i32
      %cond3A_241 = arith.cmpi ne, %convert_element_type3A_239, %cond3A_240 : i32
      scf.if %cond3A_241 {
        %add3A_307 = arith.constant 0 : i32
        %add3A_308 = arith.addi %mul3A_222, %add3A_307 : i32
        %add3A_309 = arith.constant 3 : i32
        %add3A_310 = arith.addi %add3A_308, %add3A_309 : i32
        %mul3A_311 = arith.constant 30000 : i32
        %mul3A_312 = arith.muli %add3A, %mul3A_311 : i32
        %mul3A_313 = arith.constant 80 : i32
        %mul3A_314 = arith.muli %add3A_310, %mul3A_313 : i32
        %add3A_315 = arith.addi %mul3A_312, %mul3A_314 : i32
        %lt3A_316 = arith.constant 320000 : i32
        %lt3A_317 = arith.cmpi slt, %add3A_315, %lt3A_316 : i32
        %convert_element_type3A_318 = arith.extui %lt3A_317 : i1 to i32
        %cond3A_319 = arith.constant 0 : i32
        %cond3A_320 = arith.cmpi ne, %convert_element_type3A_318, %cond3A_319 : i32
        scf.if %cond3A_320 {
          %dma_start3A = tpu.memref_slice %arg2[%add3A_315] : memref<640000xi32, #tpu.memory_space<hbm>> -> memref<80xi32, #tpu.memory_space<hbm>>
          %dma_start3A_334 = tpu.memref_slice %arg2[%add3A_315] : memref<640000xi32, #tpu.memory_space<hbm>> -> memref<80xi32, #tpu.memory_space<hbm>>
          tpu.enqueue_dma source(%dma_start3A_334 : memref<80xi32, #tpu.memory_space<hbm>>) target(%arg12 : memref<80xi32, #tpu.memory_space<vmem>>) target_semaphore(%arg22 : memref<!tpu.dma_semaphore, #tpu.memory_space<semaphore_mem>>)
        } else {
        }
        %ge3A_321 = arith.constant 320000 : i32
        %ge3A_322 = arith.cmpi sge, %add3A_315, %ge3A_321 : i32
        %lt3A_323 = arith.constant 640000 : i32
        %lt3A_324 = arith.cmpi slt, %add3A_315, %lt3A_323 : i32
        %and3A_325 = arith.andi %ge3A_322, %lt3A_324 : i1
        %convert_element_type3A_326 = arith.extui %and3A_325 : i1 to i32
        %cond3A_327 = arith.constant 0 : i32
        %cond3A_328 = arith.cmpi ne, %convert_element_type3A_326, %cond3A_327 : i32
        scf.if %cond3A_328 {
          %sub3A = arith.constant 320000 : i32
          %sub3A_334 = arith.subi %add3A_315, %sub3A : i32
          %dma_start3A = tpu.memref_slice %arg3[%sub3A_334] : memref<640000xi32, #tpu.memory_space<hbm>> -> memref<80xi32, #tpu.memory_space<hbm>>
          %dma_start3A_335 = tpu.memref_slice %arg3[%sub3A_334] : memref<640000xi32, #tpu.memory_space<hbm>> -> memref<80xi32, #tpu.memory_space<hbm>>
          tpu.enqueue_dma source(%dma_start3A_335 : memref<80xi32, #tpu.memory_space<hbm>>) target(%arg12 : memref<80xi32, #tpu.memory_space<vmem>>) target_semaphore(%arg22 : memref<!tpu.dma_semaphore, #tpu.memory_space<semaphore_mem>>)
        } else {
        }
        %ge3A_329 = arith.constant 640000 : i32
        %ge3A_330 = arith.cmpi sge, %add3A_315, %ge3A_329 : i32
        %convert_element_type3A_331 = arith.extui %ge3A_330 : i1 to i32
        %cond3A_332 = arith.constant 0 : i32
        %cond3A_333 = arith.cmpi ne, %convert_element_type3A_331, %cond3A_332 : i32
        scf.if %cond3A_333 {
          %sub3A = arith.constant 640000 : i32
          %sub3A_334 = arith.subi %add3A_315, %sub3A : i32
          %dma_start3A = tpu.memref_slice %arg4[%sub3A_334] : memref<640000xi32, #tpu.memory_space<hbm>> -> memref<80xi32, #tpu.memory_space<hbm>>
          %dma_start3A_335 = tpu.memref_slice %arg4[%sub3A_334] : memref<640000xi32, #tpu.memory_space<hbm>> -> memref<80xi32, #tpu.memory_space<hbm>>
          tpu.enqueue_dma source(%dma_start3A_335 : memref<80xi32, #tpu.memory_space<hbm>>) target(%arg12 : memref<80xi32, #tpu.memory_space<vmem>>) target_semaphore(%arg22 : memref<!tpu.dma_semaphore, #tpu.memory_space<semaphore_mem>>)
        } else {
        }
      } else {
      }
      %add3A_242 = arith.constant 0 : i32
      %add3A_243 = arith.addi %mul3A_222, %add3A_242 : i32
      %add3A_244 = arith.constant 2 : i32
      %add3A_245 = arith.addi %add3A_243, %add3A_244 : i32
      %lt3A_246 = arith.constant 375 : i32
      %lt3A_247 = arith.cmpi slt, %add3A_245, %lt3A_246 : i32
      %convert_element_type3A_248 = arith.extui %lt3A_247 : i1 to i32
      %cond3A_249 = arith.constant 0 : i32
      %cond3A_250 = arith.cmpi ne, %convert_element_type3A_248, %cond3A_249 : i32
      scf.if %cond3A_250 {
        %add3A_307 = arith.constant 0 : i32
        %add3A_308 = arith.addi %mul3A_222, %add3A_307 : i32
        %add3A_309 = arith.constant 2 : i32
        %add3A_310 = arith.addi %add3A_308, %add3A_309 : i32
        %mul3A_311 = arith.constant 30000 : i32
        %mul3A_312 = arith.muli %add3A, %mul3A_311 : i32
        %mul3A_313 = arith.constant 80 : i32
        %mul3A_314 = arith.muli %add3A_310, %mul3A_313 : i32
        %add3A_315 = arith.addi %mul3A_312, %mul3A_314 : i32
        %lt3A_316 = arith.constant 320000 : i32
        %lt3A_317 = arith.cmpi slt, %add3A_315, %lt3A_316 : i32
        %convert_element_type3A_318 = arith.extui %lt3A_317 : i1 to i32
        %cond3A_319 = arith.constant 0 : i32
        %cond3A_320 = arith.cmpi ne, %convert_element_type3A_318, %cond3A_319 : i32
        scf.if %cond3A_320 {
          %add3A_365 = arith.constant 320000 : i32
          %add3A_366 = arith.addi %add3A_365, %add3A_315 : i32
          %dma_start3A = tpu.memref_slice %arg2[%add3A_366] : memref<640000xi32, #tpu.memory_space<hbm>> -> memref<80xi32, #tpu.memory_space<hbm>>
          %dma_start3A_367 = tpu.memref_slice %arg2[%add3A_366] : memref<640000xi32, #tpu.memory_space<hbm>> -> memref<80xi32, #tpu.memory_space<hbm>>
          tpu.enqueue_dma source(%dma_start3A_367 : memref<80xi32, #tpu.memory_space<hbm>>) target(%arg17 : memref<80xi32, #tpu.memory_space<vmem>>) target_semaphore(%arg30 : memref<!tpu.dma_semaphore, #tpu.memory_space<semaphore_mem>>)
        } else {
        }
        %ge3A_321 = arith.constant 320000 : i32
        %ge3A_322 = arith.cmpi sge, %add3A_315, %ge3A_321 : i32
        %lt3A_323 = arith.constant 640000 : i32
        %lt3A_324 = arith.cmpi slt, %add3A_315, %lt3A_323 : i32
        %and3A_325 = arith.andi %ge3A_322, %lt3A_324 : i1
        %convert_element_type3A_326 = arith.extui %and3A_325 : i1 to i32
        %cond3A_327 = arith.constant 0 : i32
        %cond3A_328 = arith.cmpi ne, %convert_element_type3A_326, %cond3A_327 : i32
        scf.if %cond3A_328 {
          %sub3A = arith.constant 320000 : i32
          %sub3A_365 = arith.subi %add3A_315, %sub3A : i32
          %add3A_366 = arith.constant 320000 : i32
          %add3A_367 = arith.addi %add3A_366, %sub3A_365 : i32
          %dma_start3A = tpu.memref_slice %arg3[%add3A_367] : memref<640000xi32, #tpu.memory_space<hbm>> -> memref<80xi32, #tpu.memory_space<hbm>>
          %dma_start3A_368 = tpu.memref_slice %arg3[%add3A_367] : memref<640000xi32, #tpu.memory_space<hbm>> -> memref<80xi32, #tpu.memory_space<hbm>>
          tpu.enqueue_dma source(%dma_start3A_368 : memref<80xi32, #tpu.memory_space<hbm>>) target(%arg17 : memref<80xi32, #tpu.memory_space<vmem>>) target_semaphore(%arg30 : memref<!tpu.dma_semaphore, #tpu.memory_space<semaphore_mem>>)
        } else {
        }
        %ge3A_329 = arith.constant 640000 : i32
        %ge3A_330 = arith.cmpi sge, %add3A_315, %ge3A_329 : i32
        %convert_element_type3A_331 = arith.extui %ge3A_330 : i1 to i32
        %cond3A_332 = arith.constant 0 : i32
        %cond3A_333 = arith.cmpi ne, %convert_element_type3A_331, %cond3A_332 : i32
        scf.if %cond3A_333 {
          %sub3A = arith.constant 640000 : i32
          %sub3A_365 = arith.subi %add3A_315, %sub3A : i32
          %add3A_366 = arith.constant 320000 : i32
          %add3A_367 = arith.addi %add3A_366, %sub3A_365 : i32
          %dma_start3A = tpu.memref_slice %arg4[%add3A_367] : memref<640000xi32, #tpu.memory_space<hbm>> -> memref<80xi32, #tpu.memory_space<hbm>>
          %dma_start3A_368 = tpu.memref_slice %arg4[%add3A_367] : memref<640000xi32, #tpu.memory_space<hbm>> -> memref<80xi32, #tpu.memory_space<hbm>>
          tpu.enqueue_dma source(%dma_start3A_368 : memref<80xi32, #tpu.memory_space<hbm>>) target(%arg17 : memref<80xi32, #tpu.memory_space<vmem>>) target_semaphore(%arg30 : memref<!tpu.dma_semaphore, #tpu.memory_space<semaphore_mem>>)
        } else {
        }
        %dma_wait3A_334 = arith.constant 0 : i32
        %dma_wait3A_335 = tpu.memref_slice %arg2[%dma_wait3A_334] : memref<640000xi32, #tpu.memory_space<hbm>> -> memref<80xi32, #tpu.memory_space<hbm>>
        %dma_wait3A_336 = arith.constant 0 : i32
        %dma_wait3A_337 = tpu.memref_slice %arg2[%dma_wait3A_336] : memref<640000xi32, #tpu.memory_space<hbm>> -> memref<80xi32, #tpu.memory_space<hbm>>
        tpu.wait_dma2 semaphore(%arg24 : memref<!tpu.dma_semaphore, #tpu.memory_space<semaphore_mem>>) src(%dma_wait3A_337 : memref<80xi32, #tpu.memory_space<hbm>>) dst(%arg14 : memref<80xi32, #tpu.memory_space<vmem>>)
        %add3A_338 = arith.constant 0 : i32
        %add3A_339 = arith.addi %mul3A_222, %add3A_338 : i32
        %add3A_340 = arith.constant 2 : i32
        %add3A_341 = arith.addi %add3A_339, %add3A_340 : i32
        %mul3A_342 = arith.constant 30000 : i32
        %mul3A_343 = arith.muli %add3A, %mul3A_342 : i32
        %mul3A_344 = arith.constant 80 : i32
        %mul3A_345 = arith.muli %add3A_341, %mul3A_344 : i32
        %add3A_346 = arith.addi %mul3A_343, %mul3A_345 : i32
        %lt3A_347 = arith.constant 320000 : i32
        %lt3A_348 = arith.cmpi slt, %add3A_346, %lt3A_347 : i32
        %convert_element_type3A_349 = arith.extui %lt3A_348 : i1 to i32
        %cond3A_350 = arith.constant 0 : i32
        %cond3A_351 = arith.cmpi ne, %convert_element_type3A_349, %cond3A_350 : i32
        scf.if %cond3A_351 {
          %dma_start3A = arith.constant 0 : i32
          %dma_start3A_365 = arith.constant 0 : i32
          %dma_start3A_366 = tpu.memref_slice %arg5[%dma_start3A, %dma_start3A_365] : memref<10000x128xf32, #tpu.memory_space<hbm>> -> memref<10000x128xf32, #tpu.memory_space<hbm>>
          tpu.enqueue_indirect_dma source(%dma_start3A_366 : memref<10000x128xf32, #tpu.memory_space<hbm>>) target(%arg20 : memref<80x128xf32, #tpu.memory_space<vmem>>) offsets(%arg14 : memref<80xi32, #tpu.memory_space<vmem>>) semaphore(%arg27 : memref<!tpu.dma_semaphore, #tpu.memory_space<semaphore_mem>>)
        } else {
        }
        %ge3A_352 = arith.constant 320000 : i32
        %ge3A_353 = arith.cmpi sge, %add3A_346, %ge3A_352 : i32
        %lt3A_354 = arith.constant 640000 : i32
        %lt3A_355 = arith.cmpi slt, %add3A_346, %lt3A_354 : i32
        %and3A_356 = arith.andi %ge3A_353, %lt3A_355 : i1
        %convert_element_type3A_357 = arith.extui %and3A_356 : i1 to i32
        %cond3A_358 = arith.constant 0 : i32
        %cond3A_359 = arith.cmpi ne, %convert_element_type3A_357, %cond3A_358 : i32
        scf.if %cond3A_359 {
          %sub3A = arith.constant 320000 : i32
          %sub3A_365 = arith.subi %add3A_346, %sub3A : i32
          %dma_start3A = arith.constant 0 : i32
          %dma_start3A_366 = arith.constant 0 : i32
          %dma_start3A_367 = tpu.memref_slice %arg6[%dma_start3A, %dma_start3A_366] : memref<10000x128xf32, #tpu.memory_space<hbm>> -> memref<10000x128xf32, #tpu.memory_space<hbm>>
          tpu.enqueue_indirect_dma source(%dma_start3A_367 : memref<10000x128xf32, #tpu.memory_space<hbm>>) target(%arg20 : memref<80x128xf32, #tpu.memory_space<vmem>>) offsets(%arg14 : memref<80xi32, #tpu.memory_space<vmem>>) semaphore(%arg27 : memref<!tpu.dma_semaphore, #tpu.memory_space<semaphore_mem>>)
        } else {
        }
        %ge3A_360 = arith.constant 640000 : i32
        %ge3A_361 = arith.cmpi sge, %add3A_346, %ge3A_360 : i32
        %convert_element_type3A_362 = arith.extui %ge3A_361 : i1 to i32
        %cond3A_363 = arith.constant 0 : i32
        %cond3A_364 = arith.cmpi ne, %convert_element_type3A_362, %cond3A_363 : i32
        scf.if %cond3A_364 {
          %sub3A = arith.constant 640000 : i32
          %sub3A_365 = arith.subi %add3A_346, %sub3A : i32
          %dma_start3A = arith.constant 0 : i32
          %dma_start3A_366 = arith.constant 0 : i32
          %dma_start3A_367 = tpu.memref_slice %arg7[%dma_start3A, %dma_start3A_366] : memref<10000x128xf32, #tpu.memory_space<hbm>> -> memref<10000x128xf32, #tpu.memory_space<hbm>>
          tpu.enqueue_indirect_dma source(%dma_start3A_367 : memref<10000x128xf32, #tpu.memory_space<hbm>>) target(%arg20 : memref<80x128xf32, #tpu.memory_space<vmem>>) offsets(%arg14 : memref<80xi32, #tpu.memory_space<vmem>>) semaphore(%arg27 : memref<!tpu.dma_semaphore, #tpu.memory_space<semaphore_mem>>)
        } else {
        }
      } else {
      }
      %dma_wait3A_251 = arith.constant 0 : i32
      %dma_wait3A_252 = arith.constant 0 : i32
      %dma_wait3A_253 = tpu.memref_slice %arg5[%dma_wait3A_251, %dma_wait3A_252] : memref<10000x128xf32, #tpu.memory_space<hbm>> -> memref<80x128xf32, #tpu.memory_space<hbm>>
      %dma_wait3A_254 = arith.constant 0 : i32
      %dma_wait3A_255 = arith.constant 0 : i32
      %dma_wait3A_256 = tpu.memref_slice %arg5[%dma_wait3A_254, %dma_wait3A_255] : memref<10000x128xf32, #tpu.memory_space<hbm>> -> memref<80x128xf32, #tpu.memory_space<hbm>>
      tpu.wait_dma2 semaphore(%arg26 : memref<!tpu.dma_semaphore, #tpu.memory_space<semaphore_mem>>) src(%dma_wait3A_256 : memref<80x128xf32, #tpu.memory_space<hbm>>) dst(%arg19 : memref<80x128xf32, #tpu.memory_space<vmem>>)
      %dma_wait3A_257 = arith.constant 0 : i32
      %dma_wait3A_258 = tpu.memref_slice %arg2[%dma_wait3A_257] : memref<640000xi32, #tpu.memory_space<hbm>> -> memref<80xi32, #tpu.memory_space<hbm>>
      %dma_wait3A_259 = arith.constant 0 : i32
      %dma_wait3A_260 = tpu.memref_slice %arg2[%dma_wait3A_259] : memref<640000xi32, #tpu.memory_space<hbm>> -> memref<80xi32, #tpu.memory_space<hbm>>
      tpu.wait_dma2 semaphore(%arg29 : memref<!tpu.dma_semaphore, #tpu.memory_space<semaphore_mem>>) src(%dma_wait3A_260 : memref<80xi32, #tpu.memory_space<hbm>>) dst(%arg16 : memref<80xi32, #tpu.memory_space<vmem>>)
      "tpu.region"() ({
        %run_scoped3A = tpu.sem_alloc : memref<!tpu.dma_semaphore, #tpu.memory_space<semaphore_mem>>
        %dma_start3A = arith.constant 0 : i32
        %dma_start3A_307 = arith.constant 0 : i32
        %dma_start3A_308 = tpu.memref_slice %arg11[%dma_start3A, %dma_start3A_307] : memref<10240x128xf32, #tpu.memory_space<vmem_shared>> -> memref<10240x128xf32, #tpu.memory_space<vmem_shared>>
        tpu.enqueue_indirect_dma source(%arg19 : memref<80x128xf32, #tpu.memory_space<vmem>>) target(%dma_start3A_308 : memref<10240x128xf32, #tpu.memory_space<vmem_shared>>) offsets(%arg16 : memref<80xi32, #tpu.memory_space<vmem>>) semaphore(%run_scoped3A : memref<!tpu.dma_semaphore, #tpu.memory_space<semaphore_mem>>) {add = true}
        %dma_wait3A_309 = arith.constant 0 : i32
        %dma_wait3A_310 = arith.constant 0 : i32
        %dma_wait3A_311 = tpu.memref_slice %arg11[%dma_wait3A_309, %dma_wait3A_310] : memref<10240x128xf32, #tpu.memory_space<vmem_shared>> -> memref<10240x128xf32, #tpu.memory_space<vmem_shared>>
        tpu.wait_indirect_dma semaphore(%run_scoped3A : memref<!tpu.dma_semaphore, #tpu.memory_space<semaphore_mem>>) src(%arg19 : memref<80x128xf32, #tpu.memory_space<vmem>>) dst(%dma_wait3A_311 : memref<10240x128xf32, #tpu.memory_space<vmem_shared>>)
        tpu.yield
      }) : () -> ()
      %add3A_261 = arith.constant 1 : i32
      %add3A_262 = arith.addi %mul3A_222, %add3A_261 : i32
      %add3A_263 = arith.constant 3 : i32
      %add3A_264 = arith.addi %add3A_262, %add3A_263 : i32
      %lt3A_265 = arith.constant 375 : i32
      %lt3A_266 = arith.cmpi slt, %add3A_264, %lt3A_265 : i32
      %convert_element_type3A_267 = arith.extui %lt3A_266 : i1 to i32
      %cond3A_268 = arith.constant 0 : i32
      %cond3A_269 = arith.cmpi ne, %convert_element_type3A_267, %cond3A_268 : i32
      scf.if %cond3A_269 {
        %add3A_307 = arith.constant 1 : i32
        %add3A_308 = arith.addi %mul3A_222, %add3A_307 : i32
        %add3A_309 = arith.constant 3 : i32
        %add3A_310 = arith.addi %add3A_308, %add3A_309 : i32
        %mul3A_311 = arith.constant 30000 : i32
        %mul3A_312 = arith.muli %add3A, %mul3A_311 : i32
        %mul3A_313 = arith.constant 80 : i32
        %mul3A_314 = arith.muli %add3A_310, %mul3A_313 : i32
        %add3A_315 = arith.addi %mul3A_312, %mul3A_314 : i32
        %lt3A_316 = arith.constant 320000 : i32
        %lt3A_317 = arith.cmpi slt, %add3A_315, %lt3A_316 : i32
        %convert_element_type3A_318 = arith.extui %lt3A_317 : i1 to i32
        %cond3A_319 = arith.constant 0 : i32
        %cond3A_320 = arith.cmpi ne, %convert_element_type3A_318, %cond3A_319 : i32
        scf.if %cond3A_320 {
          %dma_start3A = tpu.memref_slice %arg2[%add3A_315] : memref<640000xi32, #tpu.memory_space<hbm>> -> memref<80xi32, #tpu.memory_space<hbm>>
          %dma_start3A_334 = tpu.memref_slice %arg2[%add3A_315] : memref<640000xi32, #tpu.memory_space<hbm>> -> memref<80xi32, #tpu.memory_space<hbm>>
          tpu.enqueue_dma source(%dma_start3A_334 : memref<80xi32, #tpu.memory_space<hbm>>) target(%arg13 : memref<80xi32, #tpu.memory_space<vmem>>) target_semaphore(%arg23 : memref<!tpu.dma_semaphore, #tpu.memory_space<semaphore_mem>>)
        } else {
        }
        %ge3A_321 = arith.constant 320000 : i32
        %ge3A_322 = arith.cmpi sge, %add3A_315, %ge3A_321 : i32
        %lt3A_323 = arith.constant 640000 : i32
        %lt3A_324 = arith.cmpi slt, %add3A_315, %lt3A_323 : i32
        %and3A_325 = arith.andi %ge3A_322, %lt3A_324 : i1
        %convert_element_type3A_326 = arith.extui %and3A_325 : i1 to i32
        %cond3A_327 = arith.constant 0 : i32
        %cond3A_328 = arith.cmpi ne, %convert_element_type3A_326, %cond3A_327 : i32
        scf.if %cond3A_328 {
          %sub3A = arith.constant 320000 : i32
          %sub3A_334 = arith.subi %add3A_315, %sub3A : i32
          %dma_start3A = tpu.memref_slice %arg3[%sub3A_334] : memref<640000xi32, #tpu.memory_space<hbm>> -> memref<80xi32, #tpu.memory_space<hbm>>
          %dma_start3A_335 = tpu.memref_slice %arg3[%sub3A_334] : memref<640000xi32, #tpu.memory_space<hbm>> -> memref<80xi32, #tpu.memory_space<hbm>>
          tpu.enqueue_dma source(%dma_start3A_335 : memref<80xi32, #tpu.memory_space<hbm>>) target(%arg13 : memref<80xi32, #tpu.memory_space<vmem>>) target_semaphore(%arg23 : memref<!tpu.dma_semaphore, #tpu.memory_space<semaphore_mem>>)
        } else {
        }
        %ge3A_329 = arith.constant 640000 : i32
        %ge3A_330 = arith.cmpi sge, %add3A_315, %ge3A_329 : i32
        %convert_element_type3A_331 = arith.extui %ge3A_330 : i1 to i32
        %cond3A_332 = arith.constant 0 : i32
        %cond3A_333 = arith.cmpi ne, %convert_element_type3A_331, %cond3A_332 : i32
        scf.if %cond3A_333 {
          %sub3A = arith.constant 640000 : i32
          %sub3A_334 = arith.subi %add3A_315, %sub3A : i32
          %dma_start3A = tpu.memref_slice %arg4[%sub3A_334] : memref<640000xi32, #tpu.memory_space<hbm>> -> memref<80xi32, #tpu.memory_space<hbm>>
          %dma_start3A_335 = tpu.memref_slice %arg4[%sub3A_334] : memref<640000xi32, #tpu.memory_space<hbm>> -> memref<80xi32, #tpu.memory_space<hbm>>
          tpu.enqueue_dma source(%dma_start3A_335 : memref<80xi32, #tpu.memory_space<hbm>>) target(%arg13 : memref<80xi32, #tpu.memory_space<vmem>>) target_semaphore(%arg23 : memref<!tpu.dma_semaphore, #tpu.memory_space<semaphore_mem>>)
        } else {
        }
      } else {
      }
      %add3A_270 = arith.constant 1 : i32
      %add3A_271 = arith.addi %mul3A_222, %add3A_270 : i32
      %add3A_272 = arith.constant 2 : i32
      %add3A_273 = arith.addi %add3A_271, %add3A_272 : i32
      %lt3A_274 = arith.constant 375 : i32
      %lt3A_275 = arith.cmpi slt, %add3A_273, %lt3A_274 : i32
      %convert_element_type3A_276 = arith.extui %lt3A_275 : i1 to i32
      %cond3A_277 = arith.constant 0 : i32
      %cond3A_278 = arith.cmpi ne, %convert_element_type3A_276, %cond3A_277 : i32
      scf.if %cond3A_278 {
        %add3A_307 = arith.constant 1 : i32
        %add3A_308 = arith.addi %mul3A_222, %add3A_307 : i32
        %add3A_309 = arith.constant 2 : i32
        %add3A_310 = arith.addi %add3A_308, %add3A_309 : i32
        %mul3A_311 = arith.constant 30000 : i32
        %mul3A_312 = arith.muli %add3A, %mul3A_311 : i32
        %mul3A_313 = arith.constant 80 : i32
        %mul3A_314 = arith.muli %add3A_310, %mul3A_313 : i32
        %add3A_315 = arith.addi %mul3A_312, %mul3A_314 : i32
        %lt3A_316 = arith.constant 320000 : i32
        %lt3A_317 = arith.cmpi slt, %add3A_315, %lt3A_316 : i32
        %convert_element_type3A_318 = arith.extui %lt3A_317 : i1 to i32
        %cond3A_319 = arith.constant 0 : i32
        %cond3A_320 = arith.cmpi ne, %convert_element_type3A_318, %cond3A_319 : i32
        scf.if %cond3A_320 {
          %add3A_365 = arith.constant 320000 : i32
          %add3A_366 = arith.addi %add3A_365, %add3A_315 : i32
          %dma_start3A = tpu.memref_slice %arg2[%add3A_366] : memref<640000xi32, #tpu.memory_space<hbm>> -> memref<80xi32, #tpu.memory_space<hbm>>
          %dma_start3A_367 = tpu.memref_slice %arg2[%add3A_366] : memref<640000xi32, #tpu.memory_space<hbm>> -> memref<80xi32, #tpu.memory_space<hbm>>
          tpu.enqueue_dma source(%dma_start3A_367 : memref<80xi32, #tpu.memory_space<hbm>>) target(%arg15 : memref<80xi32, #tpu.memory_space<vmem>>) target_semaphore(%arg28 : memref<!tpu.dma_semaphore, #tpu.memory_space<semaphore_mem>>)
        } else {
        }
        %ge3A_321 = arith.constant 320000 : i32
        %ge3A_322 = arith.cmpi sge, %add3A_315, %ge3A_321 : i32
        %lt3A_323 = arith.constant 640000 : i32
        %lt3A_324 = arith.cmpi slt, %add3A_315, %lt3A_323 : i32
        %and3A_325 = arith.andi %ge3A_322, %lt3A_324 : i1
        %convert_element_type3A_326 = arith.extui %and3A_325 : i1 to i32
        %cond3A_327 = arith.constant 0 : i32
        %cond3A_328 = arith.cmpi ne, %convert_element_type3A_326, %cond3A_327 : i32
        scf.if %cond3A_328 {
          %sub3A = arith.constant 320000 : i32
          %sub3A_365 = arith.subi %add3A_315, %sub3A : i32
          %add3A_366 = arith.constant 320000 : i32
          %add3A_367 = arith.addi %add3A_366, %sub3A_365 : i32
          %dma_start3A = tpu.memref_slice %arg3[%add3A_367] : memref<640000xi32, #tpu.memory_space<hbm>> -> memref<80xi32, #tpu.memory_space<hbm>>
          %dma_start3A_368 = tpu.memref_slice %arg3[%add3A_367] : memref<640000xi32, #tpu.memory_space<hbm>> -> memref<80xi32, #tpu.memory_space<hbm>>
          tpu.enqueue_dma source(%dma_start3A_368 : memref<80xi32, #tpu.memory_space<hbm>>) target(%arg15 : memref<80xi32, #tpu.memory_space<vmem>>) target_semaphore(%arg28 : memref<!tpu.dma_semaphore, #tpu.memory_space<semaphore_mem>>)
        } else {
        }
        %ge3A_329 = arith.constant 640000 : i32
        %ge3A_330 = arith.cmpi sge, %add3A_315, %ge3A_329 : i32
        %convert_element_type3A_331 = arith.extui %ge3A_330 : i1 to i32
        %cond3A_332 = arith.constant 0 : i32
        %cond3A_333 = arith.cmpi ne, %convert_element_type3A_331, %cond3A_332 : i32
        scf.if %cond3A_333 {
          %sub3A = arith.constant 640000 : i32
          %sub3A_365 = arith.subi %add3A_315, %sub3A : i32
          %add3A_366 = arith.constant 320000 : i32
          %add3A_367 = arith.addi %add3A_366, %sub3A_365 : i32
          %dma_start3A = tpu.memref_slice %arg4[%add3A_367] : memref<640000xi32, #tpu.memory_space<hbm>> -> memref<80xi32, #tpu.memory_space<hbm>>
          %dma_start3A_368 = tpu.memref_slice %arg4[%add3A_367] : memref<640000xi32, #tpu.memory_space<hbm>> -> memref<80xi32, #tpu.memory_space<hbm>>
          tpu.enqueue_dma source(%dma_start3A_368 : memref<80xi32, #tpu.memory_space<hbm>>) target(%arg15 : memref<80xi32, #tpu.memory_space<vmem>>) target_semaphore(%arg28 : memref<!tpu.dma_semaphore, #tpu.memory_space<semaphore_mem>>)
        } else {
        }
        %dma_wait3A_334 = arith.constant 0 : i32
        %dma_wait3A_335 = tpu.memref_slice %arg2[%dma_wait3A_334] : memref<640000xi32, #tpu.memory_space<hbm>> -> memref<80xi32, #tpu.memory_space<hbm>>
        %dma_wait3A_336 = arith.constant 0 : i32
        %dma_wait3A_337 = tpu.memref_slice %arg2[%dma_wait3A_336] : memref<640000xi32, #tpu.memory_space<hbm>> -> memref<80xi32, #tpu.memory_space<hbm>>
        tpu.wait_dma2 semaphore(%arg22 : memref<!tpu.dma_semaphore, #tpu.memory_space<semaphore_mem>>) src(%dma_wait3A_337 : memref<80xi32, #tpu.memory_space<hbm>>) dst(%arg12 : memref<80xi32, #tpu.memory_space<vmem>>)
        %add3A_338 = arith.constant 1 : i32
        %add3A_339 = arith.addi %mul3A_222, %add3A_338 : i32
        %add3A_340 = arith.constant 2 : i32
        %add3A_341 = arith.addi %add3A_339, %add3A_340 : i32
        %mul3A_342 = arith.constant 30000 : i32
        %mul3A_343 = arith.muli %add3A, %mul3A_342 : i32
        %mul3A_344 = arith.constant 80 : i32
        %mul3A_345 = arith.muli %add3A_341, %mul3A_344 : i32
        %add3A_346 = arith.addi %mul3A_343, %mul3A_345 : i32
        %lt3A_347 = arith.constant 320000 : i32
        %lt3A_348 = arith.cmpi slt, %add3A_346, %lt3A_347 : i32
        %convert_element_type3A_349 = arith.extui %lt3A_348 : i1 to i32
        %cond3A_350 = arith.constant 0 : i32
        %cond3A_351 = arith.cmpi ne, %convert_element_type3A_349, %cond3A_350 : i32
        scf.if %cond3A_351 {
          %dma_start3A = arith.constant 0 : i32
          %dma_start3A_365 = arith.constant 0 : i32
          %dma_start3A_366 = tpu.memref_slice %arg5[%dma_start3A, %dma_start3A_365] : memref<10000x128xf32, #tpu.memory_space<hbm>> -> memref<10000x128xf32, #tpu.memory_space<hbm>>
          tpu.enqueue_indirect_dma source(%dma_start3A_366 : memref<10000x128xf32, #tpu.memory_space<hbm>>) target(%arg18 : memref<80x128xf32, #tpu.memory_space<vmem>>) offsets(%arg12 : memref<80xi32, #tpu.memory_space<vmem>>) semaphore(%arg25 : memref<!tpu.dma_semaphore, #tpu.memory_space<semaphore_mem>>)
        } else {
        }
        %ge3A_352 = arith.constant 320000 : i32
        %ge3A_353 = arith.cmpi sge, %add3A_346, %ge3A_352 : i32
        %lt3A_354 = arith.constant 640000 : i32
        %lt3A_355 = arith.cmpi slt, %add3A_346, %lt3A_354 : i32
        %and3A_356 = arith.andi %ge3A_353, %lt3A_355 : i1
        %convert_element_type3A_357 = arith.extui %and3A_356 : i1 to i32
        %cond3A_358 = arith.constant 0 : i32
        %cond3A_359 = arith.cmpi ne, %convert_element_type3A_357, %cond3A_358 : i32
        scf.if %cond3A_359 {
          %sub3A = arith.constant 320000 : i32
          %sub3A_365 = arith.subi %add3A_346, %sub3A : i32
          %dma_start3A = arith.constant 0 : i32
          %dma_start3A_366 = arith.constant 0 : i32
          %dma_start3A_367 = tpu.memref_slice %arg6[%dma_start3A, %dma_start3A_366] : memref<10000x128xf32, #tpu.memory_space<hbm>> -> memref<10000x128xf32, #tpu.memory_space<hbm>>
          tpu.enqueue_indirect_dma source(%dma_start3A_367 : memref<10000x128xf32, #tpu.memory_space<hbm>>) target(%arg18 : memref<80x128xf32, #tpu.memory_space<vmem>>) offsets(%arg12 : memref<80xi32, #tpu.memory_space<vmem>>) semaphore(%arg25 : memref<!tpu.dma_semaphore, #tpu.memory_space<semaphore_mem>>)
        } else {
        }
        %ge3A_360 = arith.constant 640000 : i32
        %ge3A_361 = arith.cmpi sge, %add3A_346, %ge3A_360 : i32
        %convert_element_type3A_362 = arith.extui %ge3A_361 : i1 to i32
        %cond3A_363 = arith.constant 0 : i32
        %cond3A_364 = arith.cmpi ne, %convert_element_type3A_362, %cond3A_363 : i32
        scf.if %cond3A_364 {
          %sub3A = arith.constant 640000 : i32
          %sub3A_365 = arith.subi %add3A_346, %sub3A : i32
          %dma_start3A = arith.constant 0 : i32
          %dma_start3A_366 = arith.constant 0 : i32
          %dma_start3A_367 = tpu.memref_slice %arg7[%dma_start3A, %dma_start3A_366] : memref<10000x128xf32, #tpu.memory_space<hbm>> -> memref<10000x128xf32, #tpu.memory_space<hbm>>
          tpu.enqueue_indirect_dma source(%dma_start3A_367 : memref<10000x128xf32, #tpu.memory_space<hbm>>) target(%arg18 : memref<80x128xf32, #tpu.memory_space<vmem>>) offsets(%arg12 : memref<80xi32, #tpu.memory_space<vmem>>) semaphore(%arg25 : memref<!tpu.dma_semaphore, #tpu.memory_space<semaphore_mem>>)
        } else {
        }
      } else {
      }
      %dma_wait3A_279 = arith.constant 0 : i32
      %dma_wait3A_280 = arith.constant 0 : i32
      %dma_wait3A_281 = tpu.memref_slice %arg5[%dma_wait3A_279, %dma_wait3A_280] : memref<10000x128xf32, #tpu.memory_space<hbm>> -> memref<80x128xf32, #tpu.memory_space<hbm>>
      %dma_wait3A_282 = arith.constant 0 : i32
      %dma_wait3A_283 = arith.constant 0 : i32
      %dma_wait3A_284 = tpu.memref_slice %arg5[%dma_wait3A_282, %dma_wait3A_283] : memref<10000x128xf32, #tpu.memory_space<hbm>> -> memref<80x128xf32, #tpu.memory_space<hbm>>
      tpu.wait_dma2 semaphore(%arg27 : memref<!tpu.dma_semaphore, #tpu.memory_space<semaphore_mem>>) src(%dma_wait3A_284 : memref<80x128xf32, #tpu.memory_space<hbm>>) dst(%arg20 : memref<80x128xf32, #tpu.memory_space<vmem>>)
      %dma_wait3A_285 = arith.constant 0 : i32
      %dma_wait3A_286 = tpu.memref_slice %arg2[%dma_wait3A_285] : memref<640000xi32, #tpu.memory_space<hbm>> -> memref<80xi32, #tpu.memory_space<hbm>>
      %dma_wait3A_287 = arith.constant 0 : i32
      %dma_wait3A_288 = tpu.memref_slice %arg2[%dma_wait3A_287] : memref<640000xi32, #tpu.memory_space<hbm>> -> memref<80xi32, #tpu.memory_space<hbm>>
      tpu.wait_dma2 semaphore(%arg30 : memref<!tpu.dma_semaphore, #tpu.memory_space<semaphore_mem>>) src(%dma_wait3A_288 : memref<80xi32, #tpu.memory_space<hbm>>) dst(%arg17 : memref<80xi32, #tpu.memory_space<vmem>>)
      "tpu.region"() ({
        %run_scoped3A = tpu.sem_alloc : memref<!tpu.dma_semaphore, #tpu.memory_space<semaphore_mem>>
        %dma_start3A = arith.constant 0 : i32
        %dma_start3A_307 = arith.constant 0 : i32
        %dma_start3A_308 = tpu.memref_slice %arg11[%dma_start3A, %dma_start3A_307] : memref<10240x128xf32, #tpu.memory_space<vmem_shared>> -> memref<10240x128xf32, #tpu.memory_space<vmem_shared>>
        tpu.enqueue_indirect_dma source(%arg20 : memref<80x128xf32, #tpu.memory_space<vmem>>) target(%dma_start3A_308 : memref<10240x128xf32, #tpu.memory_space<vmem_shared>>) offsets(%arg17 : memref<80xi32, #tpu.memory_space<vmem>>) semaphore(%run_scoped3A : memref<!tpu.dma_semaphore, #tpu.memory_space<semaphore_mem>>) {add = true}
        %dma_wait3A_309 = arith.constant 0 : i32
        %dma_wait3A_310 = arith.constant 0 : i32
        %dma_wait3A_311 = tpu.memref_slice %arg11[%dma_wait3A_309, %dma_wait3A_310] : memref<10240x128xf32, #tpu.memory_space<vmem_shared>> -> memref<10240x128xf32, #tpu.memory_space<vmem_shared>>
        tpu.wait_indirect_dma semaphore(%run_scoped3A : memref<!tpu.dma_semaphore, #tpu.memory_space<semaphore_mem>>) src(%arg20 : memref<80x128xf32, #tpu.memory_space<vmem>>) dst(%dma_wait3A_311 : memref<10240x128xf32, #tpu.memory_space<vmem_shared>>)
        tpu.yield
      }) : () -> ()
      %add3A_289 = arith.constant 2 : i32
      %add3A_290 = arith.addi %mul3A_222, %add3A_289 : i32
      %add3A_291 = arith.constant 3 : i32
      %add3A_292 = arith.addi %add3A_290, %add3A_291 : i32
      %lt3A_293 = arith.constant 375 : i32
      %lt3A_294 = arith.cmpi slt, %add3A_292, %lt3A_293 : i32
      %convert_element_type3A_295 = arith.extui %lt3A_294 : i1 to i32
      %cond3A_296 = arith.constant 0 : i32
      %cond3A_297 = arith.cmpi ne, %convert_element_type3A_295, %cond3A_296 : i32
      scf.if %cond3A_297 {
        %add3A_307 = arith.constant 2 : i32
        %add3A_308 = arith.addi %mul3A_222, %add3A_307 : i32
        %add3A_309 = arith.constant 3 : i32
        %add3A_310 = arith.addi %add3A_308, %add3A_309 : i32
        %mul3A_311 = arith.constant 30000 : i32
        %mul3A_312 = arith.muli %add3A, %mul3A_311 : i32
        %mul3A_313 = arith.constant 80 : i32
        %mul3A_314 = arith.muli %add3A_310, %mul3A_313 : i32
        %add3A_315 = arith.addi %mul3A_312, %mul3A_314 : i32
        %lt3A_316 = arith.constant 320000 : i32
        %lt3A_317 = arith.cmpi slt, %add3A_315, %lt3A_316 : i32
        %convert_element_type3A_318 = arith.extui %lt3A_317 : i1 to i32
        %cond3A_319 = arith.constant 0 : i32
        %cond3A_320 = arith.cmpi ne, %convert_element_type3A_318, %cond3A_319 : i32
        scf.if %cond3A_320 {
          %dma_start3A = tpu.memref_slice %arg2[%add3A_315] : memref<640000xi32, #tpu.memory_space<hbm>> -> memref<80xi32, #tpu.memory_space<hbm>>
          %dma_start3A_334 = tpu.memref_slice %arg2[%add3A_315] : memref<640000xi32, #tpu.memory_space<hbm>> -> memref<80xi32, #tpu.memory_space<hbm>>
          tpu.enqueue_dma source(%dma_start3A_334 : memref<80xi32, #tpu.memory_space<hbm>>) target(%arg14 : memref<80xi32, #tpu.memory_space<vmem>>) target_semaphore(%arg24 : memref<!tpu.dma_semaphore, #tpu.memory_space<semaphore_mem>>)
        } else {
        }
        %ge3A_321 = arith.constant 320000 : i32
        %ge3A_322 = arith.cmpi sge, %add3A_315, %ge3A_321 : i32
        %lt3A_323 = arith.constant 640000 : i32
        %lt3A_324 = arith.cmpi slt, %add3A_315, %lt3A_323 : i32
        %and3A_325 = arith.andi %ge3A_322, %lt3A_324 : i1
        %convert_element_type3A_326 = arith.extui %and3A_325 : i1 to i32
        %cond3A_327 = arith.constant 0 : i32
        %cond3A_328 = arith.cmpi ne, %convert_element_type3A_326, %cond3A_327 : i32
        scf.if %cond3A_328 {
          %sub3A = arith.constant 320000 : i32
          %sub3A_334 = arith.subi %add3A_315, %sub3A : i32
          %dma_start3A = tpu.memref_slice %arg3[%sub3A_334] : memref<640000xi32, #tpu.memory_space<hbm>> -> memref<80xi32, #tpu.memory_space<hbm>>
          %dma_start3A_335 = tpu.memref_slice %arg3[%sub3A_334] : memref<640000xi32, #tpu.memory_space<hbm>> -> memref<80xi32, #tpu.memory_space<hbm>>
          tpu.enqueue_dma source(%dma_start3A_335 : memref<80xi32, #tpu.memory_space<hbm>>) target(%arg14 : memref<80xi32, #tpu.memory_space<vmem>>) target_semaphore(%arg24 : memref<!tpu.dma_semaphore, #tpu.memory_space<semaphore_mem>>)
        } else {
        }
        %ge3A_329 = arith.constant 640000 : i32
        %ge3A_330 = arith.cmpi sge, %add3A_315, %ge3A_329 : i32
        %convert_element_type3A_331 = arith.extui %ge3A_330 : i1 to i32
        %cond3A_332 = arith.constant 0 : i32
        %cond3A_333 = arith.cmpi ne, %convert_element_type3A_331, %cond3A_332 : i32
        scf.if %cond3A_333 {
          %sub3A = arith.constant 640000 : i32
          %sub3A_334 = arith.subi %add3A_315, %sub3A : i32
          %dma_start3A = tpu.memref_slice %arg4[%sub3A_334] : memref<640000xi32, #tpu.memory_space<hbm>> -> memref<80xi32, #tpu.memory_space<hbm>>
          %dma_start3A_335 = tpu.memref_slice %arg4[%sub3A_334] : memref<640000xi32, #tpu.memory_space<hbm>> -> memref<80xi32, #tpu.memory_space<hbm>>
          tpu.enqueue_dma source(%dma_start3A_335 : memref<80xi32, #tpu.memory_space<hbm>>) target(%arg14 : memref<80xi32, #tpu.memory_space<vmem>>) target_semaphore(%arg24 : memref<!tpu.dma_semaphore, #tpu.memory_space<semaphore_mem>>)
        } else {
        }
      } else {
      }
      %add3A_298 = arith.constant 2 : i32
      %add3A_299 = arith.addi %mul3A_222, %add3A_298 : i32
      %add3A_300 = arith.constant 2 : i32
      %add3A_301 = arith.addi %add3A_299, %add3A_300 : i32
      %lt3A_302 = arith.constant 375 : i32
      %lt3A_303 = arith.cmpi slt, %add3A_301, %lt3A_302 : i32
      %convert_element_type3A_304 = arith.extui %lt3A_303 : i1 to i32
      %cond3A_305 = arith.constant 0 : i32
      %cond3A_306 = arith.cmpi ne, %convert_element_type3A_304, %cond3A_305 : i32
      scf.if %cond3A_306 {
        %add3A_307 = arith.constant 2 : i32
        %add3A_308 = arith.addi %mul3A_222, %add3A_307 : i32
        %add3A_309 = arith.constant 2 : i32
        %add3A_310 = arith.addi %add3A_308, %add3A_309 : i32
        %mul3A_311 = arith.constant 30000 : i32
        %mul3A_312 = arith.muli %add3A, %mul3A_311 : i32
        %mul3A_313 = arith.constant 80 : i32
        %mul3A_314 = arith.muli %add3A_310, %mul3A_313 : i32
        %add3A_315 = arith.addi %mul3A_312, %mul3A_314 : i32
        %lt3A_316 = arith.constant 320000 : i32
        %lt3A_317 = arith.cmpi slt, %add3A_315, %lt3A_316 : i32
        %convert_element_type3A_318 = arith.extui %lt3A_317 : i1 to i32
        %cond3A_319 = arith.constant 0 : i32
        %cond3A_320 = arith.cmpi ne, %convert_element_type3A_318, %cond3A_319 : i32
        scf.if %cond3A_320 {
          %add3A_365 = arith.constant 320000 : i32
          %add3A_366 = arith.addi %add3A_365, %add3A_315 : i32
          %dma_start3A = tpu.memref_slice %arg2[%add3A_366] : memref<640000xi32, #tpu.memory_space<hbm>> -> memref<80xi32, #tpu.memory_space<hbm>>
          %dma_start3A_367 = tpu.memref_slice %arg2[%add3A_366] : memref<640000xi32, #tpu.memory_space<hbm>> -> memref<80xi32, #tpu.memory_space<hbm>>
          tpu.enqueue_dma source(%dma_start3A_367 : memref<80xi32, #tpu.memory_space<hbm>>) target(%arg16 : memref<80xi32, #tpu.memory_space<vmem>>) target_semaphore(%arg29 : memref<!tpu.dma_semaphore, #tpu.memory_space<semaphore_mem>>)
        } else {
        }
        %ge3A_321 = arith.constant 320000 : i32
        %ge3A_322 = arith.cmpi sge, %add3A_315, %ge3A_321 : i32
        %lt3A_323 = arith.constant 640000 : i32
        %lt3A_324 = arith.cmpi slt, %add3A_315, %lt3A_323 : i32
        %and3A_325 = arith.andi %ge3A_322, %lt3A_324 : i1
        %convert_element_type3A_326 = arith.extui %and3A_325 : i1 to i32
        %cond3A_327 = arith.constant 0 : i32
        %cond3A_328 = arith.cmpi ne, %convert_element_type3A_326, %cond3A_327 : i32
        scf.if %cond3A_328 {
          %sub3A = arith.constant 320000 : i32
          %sub3A_365 = arith.subi %add3A_315, %sub3A : i32
          %add3A_366 = arith.constant 320000 : i32
          %add3A_367 = arith.addi %add3A_366, %sub3A_365 : i32
          %dma_start3A = tpu.memref_slice %arg3[%add3A_367] : memref<640000xi32, #tpu.memory_space<hbm>> -> memref<80xi32, #tpu.memory_space<hbm>>
          %dma_start3A_368 = tpu.memref_slice %arg3[%add3A_367] : memref<640000xi32, #tpu.memory_space<hbm>> -> memref<80xi32, #tpu.memory_space<hbm>>
          tpu.enqueue_dma source(%dma_start3A_368 : memref<80xi32, #tpu.memory_space<hbm>>) target(%arg16 : memref<80xi32, #tpu.memory_space<vmem>>) target_semaphore(%arg29 : memref<!tpu.dma_semaphore, #tpu.memory_space<semaphore_mem>>)
        } else {
        }
        %ge3A_329 = arith.constant 640000 : i32
        %ge3A_330 = arith.cmpi sge, %add3A_315, %ge3A_329 : i32
        %convert_element_type3A_331 = arith.extui %ge3A_330 : i1 to i32
        %cond3A_332 = arith.constant 0 : i32
        %cond3A_333 = arith.cmpi ne, %convert_element_type3A_331, %cond3A_332 : i32
        scf.if %cond3A_333 {
          %sub3A = arith.constant 640000 : i32
          %sub3A_365 = arith.subi %add3A_315, %sub3A : i32
          %add3A_366 = arith.constant 320000 : i32
          %add3A_367 = arith.addi %add3A_366, %sub3A_365 : i32
          %dma_start3A = tpu.memref_slice %arg4[%add3A_367] : memref<640000xi32, #tpu.memory_space<hbm>> -> memref<80xi32, #tpu.memory_space<hbm>>
          %dma_start3A_368 = tpu.memref_slice %arg4[%add3A_367] : memref<640000xi32, #tpu.memory_space<hbm>> -> memref<80xi32, #tpu.memory_space<hbm>>
          tpu.enqueue_dma source(%dma_start3A_368 : memref<80xi32, #tpu.memory_space<hbm>>) target(%arg16 : memref<80xi32, #tpu.memory_space<vmem>>) target_semaphore(%arg29 : memref<!tpu.dma_semaphore, #tpu.memory_space<semaphore_mem>>)
        } else {
        }
        %dma_wait3A_334 = arith.constant 0 : i32
        %dma_wait3A_335 = tpu.memref_slice %arg2[%dma_wait3A_334] : memref<640000xi32, #tpu.memory_space<hbm>> -> memref<80xi32, #tpu.memory_space<hbm>>
        %dma_wait3A_336 = arith.constant 0 : i32
        %dma_wait3A_337 = tpu.memref_slice %arg2[%dma_wait3A_336] : memref<640000xi32, #tpu.memory_space<hbm>> -> memref<80xi32, #tpu.memory_space<hbm>>
        tpu.wait_dma2 semaphore(%arg23 : memref<!tpu.dma_semaphore, #tpu.memory_space<semaphore_mem>>) src(%dma_wait3A_337 : memref<80xi32, #tpu.memory_space<hbm>>) dst(%arg13 : memref<80xi32, #tpu.memory_space<vmem>>)
        %add3A_338 = arith.constant 2 : i32
        %add3A_339 = arith.addi %mul3A_222, %add3A_338 : i32
        %add3A_340 = arith.constant 2 : i32
        %add3A_341 = arith.addi %add3A_339, %add3A_340 : i32
        %mul3A_342 = arith.constant 30000 : i32
        %mul3A_343 = arith.muli %add3A, %mul3A_342 : i32
        %mul3A_344 = arith.constant 80 : i32
        %mul3A_345 = arith.muli %add3A_341, %mul3A_344 : i32
        %add3A_346 = arith.addi %mul3A_343, %mul3A_345 : i32
        %lt3A_347 = arith.constant 320000 : i32
        %lt3A_348 = arith.cmpi slt, %add3A_346, %lt3A_347 : i32
        %convert_element_type3A_349 = arith.extui %lt3A_348 : i1 to i32
        %cond3A_350 = arith.constant 0 : i32
        %cond3A_351 = arith.cmpi ne, %convert_element_type3A_349, %cond3A_350 : i32
        scf.if %cond3A_351 {
          %dma_start3A = arith.constant 0 : i32
          %dma_start3A_365 = arith.constant 0 : i32
          %dma_start3A_366 = tpu.memref_slice %arg5[%dma_start3A, %dma_start3A_365] : memref<10000x128xf32, #tpu.memory_space<hbm>> -> memref<10000x128xf32, #tpu.memory_space<hbm>>
          tpu.enqueue_indirect_dma source(%dma_start3A_366 : memref<10000x128xf32, #tpu.memory_space<hbm>>) target(%arg19 : memref<80x128xf32, #tpu.memory_space<vmem>>) offsets(%arg13 : memref<80xi32, #tpu.memory_space<vmem>>) semaphore(%arg26 : memref<!tpu.dma_semaphore, #tpu.memory_space<semaphore_mem>>)
        } else {
        }
        %ge3A_352 = arith.constant 320000 : i32
        %ge3A_353 = arith.cmpi sge, %add3A_346, %ge3A_352 : i32
        %lt3A_354 = arith.constant 640000 : i32
        %lt3A_355 = arith.cmpi slt, %add3A_346, %lt3A_354 : i32
        %and3A_356 = arith.andi %ge3A_353, %lt3A_355 : i1
        %convert_element_type3A_357 = arith.extui %and3A_356 : i1 to i32
        %cond3A_358 = arith.constant 0 : i32
        %cond3A_359 = arith.cmpi ne, %convert_element_type3A_357, %cond3A_358 : i32
        scf.if %cond3A_359 {
          %sub3A = arith.constant 320000 : i32
          %sub3A_365 = arith.subi %add3A_346, %sub3A : i32
          %dma_start3A = arith.constant 0 : i32
          %dma_start3A_366 = arith.constant 0 : i32
          %dma_start3A_367 = tpu.memref_slice %arg6[%dma_start3A, %dma_start3A_366] : memref<10000x128xf32, #tpu.memory_space<hbm>> -> memref<10000x128xf32, #tpu.memory_space<hbm>>
          tpu.enqueue_indirect_dma source(%dma_start3A_367 : memref<10000x128xf32, #tpu.memory_space<hbm>>) target(%arg19 : memref<80x128xf32, #tpu.memory_space<vmem>>) offsets(%arg13 : memref<80xi32, #tpu.memory_space<vmem>>) semaphore(%arg26 : memref<!tpu.dma_semaphore, #tpu.memory_space<semaphore_mem>>)
        } else {
        }
        %ge3A_360 = arith.constant 640000 : i32
        %ge3A_361 = arith.cmpi sge, %add3A_346, %ge3A_360 : i32
        %convert_element_type3A_362 = arith.extui %ge3A_361 : i1 to i32
        %cond3A_363 = arith.constant 0 : i32
        %cond3A_364 = arith.cmpi ne, %convert_element_type3A_362, %cond3A_363 : i32
        scf.if %cond3A_364 {
          %sub3A = arith.constant 640000 : i32
          %sub3A_365 = arith.subi %add3A_346, %sub3A : i32
          %dma_start3A = arith.constant 0 : i32
          %dma_start3A_366 = arith.constant 0 : i32
          %dma_start3A_367 = tpu.memref_slice %arg7[%dma_start3A, %dma_start3A_366] : memref<10000x128xf32, #tpu.memory_space<hbm>> -> memref<10000x128xf32, #tpu.memory_space<hbm>>
          tpu.enqueue_indirect_dma source(%dma_start3A_367 : memref<10000x128xf32, #tpu.memory_space<hbm>>) target(%arg19 : memref<80x128xf32, #tpu.memory_space<vmem>>) offsets(%arg13 : memref<80xi32, #tpu.memory_space<vmem>>) semaphore(%arg26 : memref<!tpu.dma_semaphore, #tpu.memory_space<semaphore_mem>>)
        } else {
        }
      } else {
      }
    }
    %scan3A_184 = arith.constant 125 : i32
    %barrier3A_185 = arith.constant 0 : index
    tpu.barrier barrier_id(%barrier3A_185)
    %mul3A_186 = arith.constant 640 : i32
    %mul3A_187 = arith.muli %arg1, %mul3A_186 : i32
    %eq3A_188 = arith.constant 0 : i32
    %eq3A_189 = arith.cmpi eq, %arg0, %eq3A_188 : i32
    %lt3A_190 = arith.constant 15 : i32
    %lt3A_191 = arith.cmpi slt, %arg1, %lt3A_190 : i32
    %and3A_192 = arith.andi %eq3A_189, %lt3A_191 : i1
    %convert_element_type3A_193 = arith.extui %and3A_192 : i1 to i32
    %cond3A_194 = arith.constant 0 : i32
    %cond3A_195 = arith.cmpi ne, %convert_element_type3A_193, %cond3A_194 : i32
    scf.if %cond3A_195 {
      "tpu.region"() ({
        %run_scoped3A = tpu.sem_alloc : memref<!tpu.dma_semaphore, #tpu.memory_space<semaphore_mem>>
        %dma_start3A = arith.constant 0 : i32
        %dma_start3A_220 = tpu.memref_slice %arg9[%mul3A_187, %dma_start3A] : memref<10240x128xf32, #tpu.memory_space<hbm>> -> memref<640x128xf32, #tpu.memory_space<hbm>>
        %dma_start3A_221 = arith.constant 0 : i32
        %dma_start3A_222 = tpu.memref_slice %arg11[%mul3A_187, %dma_start3A_221] : memref<10240x128xf32, #tpu.memory_space<vmem_shared>> -> memref<640x128xf32, #tpu.memory_space<vmem_shared>>
        tpu.enqueue_dma source(%dma_start3A_222 : memref<640x128xf32, #tpu.memory_space<vmem_shared>>) target(%dma_start3A_220 : memref<640x128xf32, #tpu.memory_space<hbm>>) target_semaphore(%run_scoped3A : memref<!tpu.dma_semaphore, #tpu.memory_space<semaphore_mem>>)
        %dma_wait3A_223 = arith.constant 0 : i32
        %dma_wait3A_224 = tpu.memref_slice %arg9[%mul3A_187, %dma_wait3A_223] : memref<10240x128xf32, #tpu.memory_space<hbm>> -> memref<640x128xf32, #tpu.memory_space<hbm>>
        %dma_wait3A_225 = arith.constant 0 : i32
        %dma_wait3A_226 = tpu.memref_slice %arg11[%mul3A_187, %dma_wait3A_225] : memref<10240x128xf32, #tpu.memory_space<vmem_shared>> -> memref<640x128xf32, #tpu.memory_space<vmem_shared>>
        tpu.wait_dma2 semaphore(%run_scoped3A : memref<!tpu.dma_semaphore, #tpu.memory_space<semaphore_mem>>) src(%dma_wait3A_226 : memref<640x128xf32, #tpu.memory_space<vmem_shared>>) dst(%dma_wait3A_224 : memref<640x128xf32, #tpu.memory_space<hbm>>)
        tpu.yield
      }) : () -> ()
    } else {
    }
    %eq3A_196 = arith.constant 0 : i32
    %eq3A_197 = arith.cmpi eq, %arg0, %eq3A_196 : i32
    %eq3A_198 = arith.constant 15 : i32
    %eq3A_199 = arith.cmpi eq, %arg1, %eq3A_198 : i32
    %and3A_200 = arith.andi %eq3A_197, %eq3A_199 : i1
    %convert_element_type3A_201 = arith.extui %and3A_200 : i1 to i32
    %cond3A_202 = arith.constant 0 : i32
    %cond3A_203 = arith.cmpi ne, %convert_element_type3A_201, %cond3A_202 : i32
    scf.if %cond3A_203 {
      "tpu.region"() ({
        %run_scoped3A = tpu.sem_alloc : memref<!tpu.dma_semaphore, #tpu.memory_space<semaphore_mem>>
        %dma_start3A = arith.constant 0 : i32
        %dma_start3A_220 = tpu.memref_slice %arg9[%mul3A_187, %dma_start3A] : memref<10240x128xf32, #tpu.memory_space<hbm>> -> memref<400x128xf32, #tpu.memory_space<hbm>>
        %dma_start3A_221 = arith.constant 0 : i32
        %dma_start3A_222 = tpu.memref_slice %arg11[%mul3A_187, %dma_start3A_221] : memref<10240x128xf32, #tpu.memory_space<vmem_shared>> -> memref<400x128xf32, #tpu.memory_space<vmem_shared>>
        tpu.enqueue_dma source(%dma_start3A_222 : memref<400x128xf32, #tpu.memory_space<vmem_shared>>) target(%dma_start3A_220 : memref<400x128xf32, #tpu.memory_space<hbm>>) target_semaphore(%run_scoped3A : memref<!tpu.dma_semaphore, #tpu.memory_space<semaphore_mem>>)
        %dma_wait3A_223 = arith.constant 0 : i32
        %dma_wait3A_224 = tpu.memref_slice %arg9[%mul3A_187, %dma_wait3A_223] : memref<10240x128xf32, #tpu.memory_space<hbm>> -> memref<400x128xf32, #tpu.memory_space<hbm>>
        %dma_wait3A_225 = arith.constant 0 : i32
        %dma_wait3A_226 = tpu.memref_slice %arg11[%mul3A_187, %dma_wait3A_225] : memref<10240x128xf32, #tpu.memory_space<vmem_shared>> -> memref<400x128xf32, #tpu.memory_space<vmem_shared>>
        tpu.wait_dma2 semaphore(%run_scoped3A : memref<!tpu.dma_semaphore, #tpu.memory_space<semaphore_mem>>) src(%dma_wait3A_226 : memref<400x128xf32, #tpu.memory_space<vmem_shared>>) dst(%dma_wait3A_224 : memref<400x128xf32, #tpu.memory_space<hbm>>)
        tpu.yield
      }) : () -> ()
    } else {
    }
    %eq3A_204 = arith.constant 1 : i32
    %eq3A_205 = arith.cmpi eq, %arg0, %eq3A_204 : i32
    %lt3A_206 = arith.constant 15 : i32
    %lt3A_207 = arith.cmpi slt, %arg1, %lt3A_206 : i32
    %and3A_208 = arith.andi %eq3A_205, %lt3A_207 : i1
    %convert_element_type3A_209 = arith.extui %and3A_208 : i1 to i32
    %cond3A_210 = arith.constant 0 : i32
    %cond3A_211 = arith.cmpi ne, %convert_element_type3A_209, %cond3A_210 : i32
    scf.if %cond3A_211 {
      "tpu.region"() ({
        %run_scoped3A = tpu.sem_alloc : memref<!tpu.dma_semaphore, #tpu.memory_space<semaphore_mem>>
        %dma_start3A = arith.constant 0 : i32
        %dma_start3A_220 = tpu.memref_slice %arg10[%mul3A_187, %dma_start3A] : memref<10240x128xf32, #tpu.memory_space<hbm>> -> memref<640x128xf32, #tpu.memory_space<hbm>>
        %dma_start3A_221 = arith.constant 0 : i32
        %dma_start3A_222 = tpu.memref_slice %arg11[%mul3A_187, %dma_start3A_221] : memref<10240x128xf32, #tpu.memory_space<vmem_shared>> -> memref<640x128xf32, #tpu.memory_space<vmem_shared>>
        tpu.enqueue_dma source(%dma_start3A_222 : memref<640x128xf32, #tpu.memory_space<vmem_shared>>) target(%dma_start3A_220 : memref<640x128xf32, #tpu.memory_space<hbm>>) target_semaphore(%run_scoped3A : memref<!tpu.dma_semaphore, #tpu.memory_space<semaphore_mem>>)
        %dma_wait3A_223 = arith.constant 0 : i32
        %dma_wait3A_224 = tpu.memref_slice %arg10[%mul3A_187, %dma_wait3A_223] : memref<10240x128xf32, #tpu.memory_space<hbm>> -> memref<640x128xf32, #tpu.memory_space<hbm>>
        %dma_wait3A_225 = arith.constant 0 : i32
        %dma_wait3A_226 = tpu.memref_slice %arg11[%mul3A_187, %dma_wait3A_225] : memref<10240x128xf32, #tpu.memory_space<vmem_shared>> -> memref<640x128xf32, #tpu.memory_space<vmem_shared>>
        tpu.wait_dma2 semaphore(%run_scoped3A : memref<!tpu.dma_semaphore, #tpu.memory_space<semaphore_mem>>) src(%dma_wait3A_226 : memref<640x128xf32, #tpu.memory_space<vmem_shared>>) dst(%dma_wait3A_224 : memref<640x128xf32, #tpu.memory_space<hbm>>)
        tpu.yield
      }) : () -> ()
    } else {
    }
    %eq3A_212 = arith.constant 1 : i32
    %eq3A_213 = arith.cmpi eq, %arg0, %eq3A_212 : i32
    %eq3A_214 = arith.constant 15 : i32
    %eq3A_215 = arith.cmpi eq, %arg1, %eq3A_214 : i32
    %and3A_216 = arith.andi %eq3A_213, %eq3A_215 : i1
    %convert_element_type3A_217 = arith.extui %and3A_216 : i1 to i32
    %cond3A_218 = arith.constant 0 : i32
    %cond3A_219 = arith.cmpi ne, %convert_element_type3A_217, %cond3A_218 : i32
    scf.if %cond3A_219 {
      "tpu.region"() ({
        %run_scoped3A = tpu.sem_alloc : memref<!tpu.dma_semaphore, #tpu.memory_space<semaphore_mem>>
        %dma_start3A = arith.constant 0 : i32
        %dma_start3A_220 = tpu.memref_slice %arg10[%mul3A_187, %dma_start3A] : memref<10240x128xf32, #tpu.memory_space<hbm>> -> memref<400x128xf32, #tpu.memory_space<hbm>>
        %dma_start3A_221 = arith.constant 0 : i32
        %dma_start3A_222 = tpu.memref_slice %arg11[%mul3A_187, %dma_start3A_221] : memref<10240x128xf32, #tpu.memory_space<vmem_shared>> -> memref<400x128xf32, #tpu.memory_space<vmem_shared>>
        tpu.enqueue_dma source(%dma_start3A_222 : memref<400x128xf32, #tpu.memory_space<vmem_shared>>) target(%dma_start3A_220 : memref<400x128xf32, #tpu.memory_space<hbm>>) target_semaphore(%run_scoped3A : memref<!tpu.dma_semaphore, #tpu.memory_space<semaphore_mem>>)
        %dma_wait3A_223 = arith.constant 0 : i32
        %dma_wait3A_224 = tpu.memref_slice %arg10[%mul3A_187, %dma_wait3A_223] : memref<10240x128xf32, #tpu.memory_space<hbm>> -> memref<400x128xf32, #tpu.memory_space<hbm>>
        %dma_wait3A_225 = arith.constant 0 : i32
        %dma_wait3A_226 = tpu.memref_slice %arg11[%mul3A_187, %dma_wait3A_225] : memref<10240x128xf32, #tpu.memory_space<vmem_shared>> -> memref<400x128xf32, #tpu.memory_space<vmem_shared>>
        tpu.wait_dma2 semaphore(%run_scoped3A : memref<!tpu.dma_semaphore, #tpu.memory_space<semaphore_mem>>) src(%dma_wait3A_226 : memref<400x128xf32, #tpu.memory_space<vmem_shared>>) dst(%dma_wait3A_224 : memref<400x128xf32, #tpu.memory_space<hbm>>)
        tpu.yield
      }) : () -> ()
    } else {
    }
    return
  }
}

module attributes {stable_mosaic.version = 14 : i64} {
  func.func @_combine_body(%arg0: i32, %arg1: memref<2000x128xf32, #tpu.memory_space<vmem>>, %arg2: memref<2000x128xf32, #tpu.memory_space<vmem>>, %arg3: memref<2000x128xf32, #tpu.memory_space<vmem>>) attributes {dimension_semantics = [#tpu.dimension_semantics<arbitrary>], iteration_bounds = array<i64: 5>, scalar_prefetch = 0 : i64, scratch_operands = 0 : i64, tpu.core_type = #tpu.core_type<tc>, window_params = [{transform_indices = @transform_0, window_bounds = array<i64: 2000, 128>}, {transform_indices = @transform_1, window_bounds = array<i64: 2000, 128>}, {transform_indices = @transform_2, window_bounds = array<i64: 2000, 128>}]} {
    %get3A = arith.constant 0 : index
    %get3A_0 = arith.constant 0 : index
    %get3A_1 = vector.load %arg1[%get3A, %get3A_0] : memref<2000x128xf32, #tpu.memory_space<vmem>>, vector<2000x128xf32>
    %get3A_2 = arith.constant 0 : index
    %get3A_3 = arith.constant 0 : index
    %get3A_4 = vector.load %arg2[%get3A_2, %get3A_3] : memref<2000x128xf32, #tpu.memory_space<vmem>>, vector<2000x128xf32>
    %add3A = arith.addf %get3A_1, %get3A_4 : vector<2000x128xf32>
    %swap3A = arith.constant 0 : index
    %swap3A_5 = arith.constant 0 : index
    %swap3A_6 = vector.load %arg3[%swap3A, %swap3A_5] : memref<2000x128xf32, #tpu.memory_space<vmem>>, vector<2000x128xf32>
    tpu.vector_store %arg3[%swap3A, %swap3A_5], %add3A {strides = array<i32>} : memref<2000x128xf32, #tpu.memory_space<vmem>>, vector<2000x128xf32>,
    return
  }
  func.func @transform_0(%arg0: i32) -> (i32, i32) {
    %c0_i32 = arith.constant 0 : i32
    %c0_i32_0 = arith.constant 0 : i32
    return %arg0, %c0_i32 : i32, i32
  }
  func.func @transform_1(%arg0: i32) -> (i32, i32) {
    %c0_i32 = arith.constant 0 : i32
    %c0_i32_0 = arith.constant 0 : i32
    return %arg0, %c0_i32 : i32, i32
  }
  func.func @transform_2(%arg0: i32) -> (i32, i32) {
    %c0_i32 = arith.constant 0 : i32
    %c0_i32_0 = arith.constant 0 : i32
    return %arg0, %c0_i32 : i32, i32
  }
}

module attributes {stable_mosaic.version = 14 : i64} {
  func.func @_mm_body(%arg0: i32, %arg1: memref<2000x128xf32, #tpu.memory_space<vmem>>, %arg2: memref<128x128xf32, #tpu.memory_space<vmem>>, %arg3: memref<128x128xf32, #tpu.memory_space<vmem>>, %arg4: memref<128x128xf32, #tpu.memory_space<vmem>>, %arg5: memref<128x128xf32, #tpu.memory_space<vmem>>, %arg6: memref<1x128xf32, #tpu.memory_space<vmem>>, %arg7: memref<2000x128xf32, #tpu.memory_space<vmem>>, %arg8: memref<2000x128xf32, #tpu.memory_space<vmem>>, %arg9: memref<2000x128xf32, #tpu.memory_space<vmem>>, %arg10: memref<2000x128xf32, #tpu.memory_space<vmem>>) attributes {dimension_semantics = [#tpu.dimension_semantics<arbitrary>], iteration_bounds = array<i64: 5>, scalar_prefetch = 0 : i64, scratch_operands = 0 : i64, tpu.core_type = #tpu.core_type<tc>, window_params = [{transform_indices = @transform_0, window_bounds = array<i64: 2000, 128>}, {pipeline_mode = #tpu.pipeline_mode<synchronous>, transform_indices = @transform_1, window_bounds = array<i64: 128, 128>}, {pipeline_mode = #tpu.pipeline_mode<synchronous>, transform_indices = @transform_2, window_bounds = array<i64: 128, 128>}, {pipeline_mode = #tpu.pipeline_mode<synchronous>, transform_indices = @transform_3, window_bounds = array<i64: 128, 128>}, {pipeline_mode = #tpu.pipeline_mode<synchronous>, transform_indices = @transform_4, window_bounds = array<i64: 128, 128>}, {pipeline_mode = #tpu.pipeline_mode<synchronous>, transform_indices = @transform_5, window_bounds = array<i64: 1, 128>}, {transform_indices = @transform_6, window_bounds = array<i64: 2000, 128>}, {transform_indices = @transform_7, window_bounds = array<i64: 2000, 128>}, {transform_indices = @transform_8, window_bounds = array<i64: 2000, 128>}, {transform_indices = @transform_9, window_bounds = array<i64: 2000, 128>}]} {
    %get3A = arith.constant 0 : index
    %get3A_0 = arith.constant 0 : index
    %get3A_1 = vector.load %arg1[%get3A, %get3A_0] : memref<2000x128xf32, #tpu.memory_space<vmem>>, vector<2000x128xf32>
    %get3A_2 = arith.constant 0 : index
    %get3A_3 = arith.constant 0 : index
    %get3A_4 = vector.load %arg2[%get3A_2, %get3A_3] : memref<128x128xf32, #tpu.memory_space<vmem>>, vector<128x128xf32>
    %dot_general3A = arith.constant dense<0.000000e+00> : vector<2000x128xf32>
    %dot_general3A_5 = tpu.matmul %get3A_1, %get3A_4, %dot_general3A {dimension_numbers = #tpu.dot_dimension_numbers<[1], [1], [0], [0], [0, 0, 1, 0], [], []>, transpose_lhs_hint = false} : vector<2000x128xf32>, vector<128x128xf32>, vector<2000x128xf32> -> vector<2000x128xf32>
    %swap3A = arith.constant 0 : index
    %swap3A_6 = arith.constant 0 : index
    %swap3A_7 = vector.load %arg7[%swap3A, %swap3A_6] : memref<2000x128xf32, #tpu.memory_space<vmem>>, vector<2000x128xf32>
    tpu.vector_store %arg7[%swap3A, %swap3A_6], %dot_general3A_5 {strides = array<i32>} : memref<2000x128xf32, #tpu.memory_space<vmem>>, vector<2000x128xf32>,
    %get3A_8 = arith.constant 0 : index
    %get3A_9 = arith.constant 0 : index
    %get3A_10 = vector.load %arg3[%get3A_8, %get3A_9] : memref<128x128xf32, #tpu.memory_space<vmem>>, vector<128x128xf32>
    %dot_general3A_11 = arith.constant dense<0.000000e+00> : vector<2000x128xf32>
    %dot_general3A_12 = tpu.matmul %get3A_1, %get3A_10, %dot_general3A_11 {dimension_numbers = #tpu.dot_dimension_numbers<[1], [1], [0], [0], [0, 0, 1, 0], [], []>, transpose_lhs_hint = false} : vector<2000x128xf32>, vector<128x128xf32>, vector<2000x128xf32> -> vector<2000x128xf32>
    %swap3A_13 = arith.constant 0 : index
    %swap3A_14 = arith.constant 0 : index
    %swap3A_15 = vector.load %arg8[%swap3A_13, %swap3A_14] : memref<2000x128xf32, #tpu.memory_space<vmem>>, vector<2000x128xf32>
    tpu.vector_store %arg8[%swap3A_13, %swap3A_14], %dot_general3A_12 {strides = array<i32>} : memref<2000x128xf32, #tpu.memory_space<vmem>>, vector<2000x128xf32>,
    %get3A_16 = arith.constant 0 : index
    %get3A_17 = arith.constant 0 : index
    %get3A_18 = vector.load %arg4[%get3A_16, %get3A_17] : memref<128x128xf32, #tpu.memory_space<vmem>>, vector<128x128xf32>
    %dot_general3A_19 = arith.constant dense<0.000000e+00> : vector<2000x128xf32>
    %dot_general3A_20 = tpu.matmul %get3A_1, %get3A_18, %dot_general3A_19 {dimension_numbers = #tpu.dot_dimension_numbers<[1], [1], [0], [0], [0, 0, 1, 0], [], []>, transpose_lhs_hint = false} : vector<2000x128xf32>, vector<128x128xf32>, vector<2000x128xf32> -> vector<2000x128xf32>
    %swap3A_21 = arith.constant 0 : index
    %swap3A_22 = arith.constant 0 : index
    %swap3A_23 = vector.load %arg9[%swap3A_21, %swap3A_22] : memref<2000x128xf32, #tpu.memory_space<vmem>>, vector<2000x128xf32>
    tpu.vector_store %arg9[%swap3A_21, %swap3A_22], %dot_general3A_20 {strides = array<i32>} : memref<2000x128xf32, #tpu.memory_space<vmem>>, vector<2000x128xf32>,
    %get3A_24 = arith.constant 0 : index
    %get3A_25 = arith.constant 0 : index
    %get3A_26 = vector.load %arg5[%get3A_24, %get3A_25] : memref<128x128xf32, #tpu.memory_space<vmem>>, vector<128x128xf32>
    %dot_general3A_27 = arith.constant dense<0.000000e+00> : vector<2000x128xf32>
    %dot_general3A_28 = tpu.matmul %get3A_1, %get3A_26, %dot_general3A_27 {dimension_numbers = #tpu.dot_dimension_numbers<[1], [1], [0], [0], [0, 0, 1, 0], [], []>, transpose_lhs_hint = false} : vector<2000x128xf32>, vector<128x128xf32>, vector<2000x128xf32> -> vector<2000x128xf32>
    %get3A_29 = arith.constant 0 : index
    %get3A_30 = arith.constant 0 : index
    %get3A_31 = vector.load %arg6[%get3A_29, %get3A_30] : memref<1x128xf32, #tpu.memory_space<vmem>>, vector<1x128xf32>
    %add3A = vector.broadcast %get3A_31 : vector<1x128xf32> to vector<2000x128xf32>
    %add3A_32 = arith.addf %dot_general3A_28, %add3A : vector<2000x128xf32>
    %swap3A_33 = arith.constant 0 : index
    %swap3A_34 = arith.constant 0 : index
    %swap3A_35 = vector.load %arg10[%swap3A_33, %swap3A_34] : memref<2000x128xf32, #tpu.memory_space<vmem>>, vector<2000x128xf32>
    tpu.vector_store %arg10[%swap3A_33, %swap3A_34], %add3A_32 {strides = array<i32>} : memref<2000x128xf32, #tpu.memory_space<vmem>>, vector<2000x128xf32>,
    return
  }
  func.func @transform_0(%arg0: i32) -> (i32, i32) {
    %c0_i32 = arith.constant 0 : i32
    %c0_i32_0 = arith.constant 0 : i32
    return %arg0, %c0_i32 : i32, i32
  }
  func.func @transform_1(%arg0: i32) -> (i32, i32) {
    %c0_i32 = arith.constant 0 : i32
    %c0_i32_0 = arith.constant 0 : i32
    %c0_i32_1 = arith.constant 0 : i32
    return %c0_i32, %c0_i32_0 : i32, i32
  }
  func.func @transform_2(%arg0: i32) -> (i32, i32) {
    %c0_i32 = arith.constant 0 : i32
    %c0_i32_0 = arith.constant 0 : i32
    %c0_i32_1 = arith.constant 0 : i32
    return %c0_i32, %c0_i32_0 : i32, i32
  }
  func.func @transform_3(%arg0: i32) -> (i32, i32) {
    %c0_i32 = arith.constant 0 : i32
    %c0_i32_0 = arith.constant 0 : i32
    %c0_i32_1 = arith.constant 0 : i32
    return %c0_i32, %c0_i32_0 : i32, i32
  }
  func.func @transform_4(%arg0: i32) -> (i32, i32) {
    %c0_i32 = arith.constant 0 : i32
    %c0_i32_0 = arith.constant 0 : i32
    %c0_i32_1 = arith.constant 0 : i32
    return %c0_i32, %c0_i32_0 : i32, i32
  }
  func.func @transform_5(%arg0: i32) -> (i32, i32) {
    %c0_i32 = arith.constant 0 : i32
    %c0_i32_0 = arith.constant 0 : i32
    %c0_i32_1 = arith.constant 0 : i32
    return %c0_i32, %c0_i32_0 : i32, i32
  }
  func.func @transform_6(%arg0: i32) -> (i32, i32) {
    %c0_i32 = arith.constant 0 : i32
    %c0_i32_0 = arith.constant 0 : i32
    return %arg0, %c0_i32 : i32, i32
  }
  func.func @transform_7(%arg0: i32) -> (i32, i32) {
    %c0_i32 = arith.constant 0 : i32
    %c0_i32_0 = arith.constant 0 : i32
    return %arg0, %c0_i32 : i32, i32
  }
  func.func @transform_8(%arg0: i32) -> (i32, i32) {
    %c0_i32 = arith.constant 0 : i32
    %c0_i32_0 = arith.constant 0 : i32
    return %arg0, %c0_i32 : i32, i32
  }
  func.func @transform_9(%arg0: i32) -> (i32, i32) {
    %c0_i32 = arith.constant 0 : i32
    %c0_i32_0 = arith.constant 0 : i32
    return %arg0, %c0_i32 : i32, i32
  }
}

</mosaic_0001>

<sc_bundles>
// kernel: kernel.5.cloned.1.call-start
scs
__scs_entry_jumppad:
0x0: {  	(pc) =	sbr.rel $0x88, $3  }
0x1: {  	(tag) =	ssettag $0x0;
	lr =	simm.s32 $0x1  }
0x2: {  	[smem:$0x3F98] =	sst lr;
	_ =	strace $0xD0000000  }
0x3: {  	_ = 	snop  }
0x4: {  	_ = 	snop  }
0x5: {  	_ = 	snop  }
0x6: {  	_ = 	snop  }
0x7: {  	_ = 	snop  }
__scs_overlays_trampoline_lowered:
0x8: {  	[smem:$0x3FA7] =	sst s0  }
0x9: {  	[smem:$0x3FA8] =	sst s1  }
0xa: {  	[smem:$0x3FA9] =	sst s2  }
0xb: {  	[smem:$0x3FAA] =	sst s3  }
0xc: {  	[smem:$0x3FAB] =	sst s4  }
0xd: {  	[smem:$0x3FAC] =	sst s5  }
0xe: {  	[smem:$0x3FAD] =	sst s6  }
0xf: {  	[smem:$0x3FAE] =	sst s7  }
0x10: {  	[smem:$0x3FAF] =	sst s8  }
0x11: {  	[smem:$0x3FB0] =	sst s9;
	s0 =	simm.s32 @!p0 $0x0  }
0x12: {  	s1 =	sld [smem:$0x3F96];
	s0 =	simm.s32 @p0 $0x1  }
0x13: {  	[smem:$0x3FB1] =	sst s0;
	s0 =	simm.s32 @!p1 $0x0  }
0x14: {  	s2 =	sld [smem:$0x3F95];
	s0 =	simm.s32 @p1 $0x1  }
0x15: {  	[smem:$0x3FB2] =	sst s0;
	s0 =	simm.s32 @!p2 $0x0  }
0x16: {  	s3 =	sld [smem:$0x3FDB];
	s0 =	simm.s32 @p2 $0x1  }
0x17: {  	s4 =	simm.s32 $0x1BF5;
	[smem:$0x3FB4] =	sst s0  }
0x18: {  	s0 =	sld [smem:$0x3F97];
	_ =	swait.ge [sflag:s4], $0x0  }
0x19: {  	s7 =	sld [smem:$0x3F98]  }
0x1a: {  	s8 =	sadd.s32 $0xFFFFE003, lr  }
0x1b: {  	s9 =	sadd.s32 $0xFFFFFEF7, lr;
	s5 =	simm.s32 $0xFFFFFFFF;
	p2 =	slt.u32 s8, $0xFFFFF086  }
0x1c: {  	p1 =	slt.u32 s9, $0xF7A;
	s5 =	simm.s32 @!p2 $0x0  }
0x1d: {  	s5 =	simm.s32 @p1 $0x1;
	p0 =	seq.s32 s7, s2  }
0x1e: {  	s7 =	smul.u32 @!p0 $0xF7A, s2;
	p2 =	seq.s32 @!p0 s5, $0x0  }
0x1f: {  	s9 =	smul.u32 $0xF7A, s1;
	s8 =	simm.s32 @!p0 $0x1BF5;
	p2 =	por !p2, p0  }
0x20: {  	[sflag:s8] =	ssyncset.s32 @!p0 $0xFFFFF086;
	s6 =	sadd.s32 @!p0 s3, s7;
	s7 =	simm.s32 @!p0 $0x108  }
0x21: {  	s3 =	sadd.s32 s3, s9;
	s6 =	sadd.s32 @!p0 $0x88, s6;
	s7 =	simm.s32 @p2 $0x1082  }
0x22: {  	[simem:s7], [sflag:s8] =	dma.local @!p0 [hbm:s6], $0xF7A  }
0x23: {  	s9 =	sor.u32 $0xD0000000, s2;
	s6 =	simm.s32 $0x108;
	_ =	swait.ge @!p0 [sflag:s8], $0x0  }
0x24: {  	s3 =	sadd.s32 $0x88, s3;
	s6 =	simm.s32 @!p1 $0x1082;
	[sflag:s4] =	ssyncset.s32 $0xFFFFF086  }
0x25: {  	[simem:s6], [sflag:s4] =	dma.local [hbm:s3], $0xF7A  }
0x26: {  	[smem:$0x3F98] =	sst s1;
	(tag) =	ssettag s2;
	_ =	strace s9  }
0x27: {  	s1 =	sld [smem:$0x3FA8]  }
0x28: {  	s2 =	sld [smem:$0x3FA9]  }
0x29: {  	s4 =	sld [smem:$0x3FAB]  }
0x2a: {  	p0 =	seq.s32 s5, $0x0;
	s5 =	sld [smem:$0x3FAC]  }
0x2b: {  	s6 =	sld [smem:$0x3FAD]  }
0x2c: {  	s7 =	sld [smem:$0x3FAE]  }
0x2d: {  	s3 =	simm.s32 $0x108;
	s8 =	sld [smem:$0x3FAF]  }
0x2e: {  	s3 =	simm.s32 @!p0 $0x1082;
	s9 =	sld [smem:$0x3FB0]  }
0x2f: {  	lr =	sadd.s32 s0, s3;
	s0 =	sld [smem:$0x3FA7]  }
0x30: {  	s3 =	sld [smem:$0x3FAA]  }
0x31: {  	[smem:$0x3FB3] =	sst s10  }
0x32: {  	s10 =	sld [smem:$0x3FB1];
	_ =	sdelay $0x3  }
0x33: {  	p0 =	seq.s32 s10, $0x1;
	s10 =	sld [smem:$0x3FB3];
	_ =	sdelay $0x3  }
0x34: {  	[smem:$0x3FB3] =	sst s10  }
0x35: {  	s10 =	sld [smem:$0x3FB2];
	_ =	sdelay $0x3  }
0x36: {  	p1 =	seq.s32 s10, $0x1;
	s10 =	sld [smem:$0x3FB3];
	_ =	sdelay $0x3  }
0x37: {  	[smem:$0x3FB3] =	sst s10  }
0x38: {  	s10 =	sld [smem:$0x3FB4]  }
0x39: {  	_ = 	snop;
	(pc) =	sbr.ind lr, $3  }
0x3a: {  	_ = 	snop  }
0x3b: {  	_ = 	snop  }
0x3c: {  	p2 =	seq.s32 s10, $0x1;
	s10 =	sld [smem:$0x3FB3]  }
0x3d: {  	_ =	shalt  }
0x3e: {  	_ =	shalt  }
0x3f: {  	_ =	shalt  }
0x40: {  	_ =	shalt  }
0x41: {  	_ =	shalt  }
0x42: {  	_ =	shalt  }
0x43: {  	_ =	shalt  }
0x44: {  	_ =	shalt  }
0x45: {  	_ =	shalt  }
0x46: {  	_ =	shalt  }
0x47: {  	_ =	shalt  }
0x48: {  	_ =	shalt  }
0x49: {  	_ =	shalt  }
0x4a: {  	_ =	shalt  }
0x4b: {  	_ =	shalt  }
0x4c: {  	_ =	shalt  }
0x4d: {  	_ =	shalt  }
0x4e: {  	_ =	shalt  }
0x4f: {  	_ =	shalt  }
0x50: {  	_ =	shalt  }
0x51: {  	_ =	shalt  }
0x52: {  	_ =	shalt  }
0x53: {  	_ =	shalt  }
0x54: {  	_ =	shalt  }
0x55: {  	_ =	shalt  }
0x56: {  	_ =	shalt  }
0x57: {  	_ =	shalt  }
0x58: {  	_ =	shalt  }
0x59: {  	_ =	shalt  }
0x5a: {  	_ =	shalt  }
0x5b: {  	_ =	shalt  }
0x5c: {  	_ =	shalt  }
0x5d: {  	_ =	shalt  }
0x5e: {  	_ =	shalt  }
0x5f: {  	_ =	shalt  }
0x60: {  	_ =	shalt  }
0x61: {  	_ =	shalt  }
0x62: {  	_ =	shalt  }
0x63: {  	_ =	shalt  }
0x64: {  	_ =	shalt  }
0x65: {  	_ =	shalt  }
0x66: {  	_ =	shalt  }
0x67: {  	_ =	shalt  }
0x68: {  	_ =	shalt  }
0x69: {  	_ =	shalt  }
0x6a: {  	_ =	shalt  }
0x6b: {  	_ =	shalt  }
0x6c: {  	_ =	shalt  }
0x6d: {  	_ =	shalt  }
0x6e: {  	_ =	shalt  }
0x6f: {  	_ =	shalt  }
0x70: {  	_ =	shalt  }
0x71: {  	_ =	shalt  }
0x72: {  	_ =	shalt  }
0x73: {  	_ =	shalt  }
0x74: {  	_ =	shalt  }
0x75: {  	_ =	shalt  }
0x76: {  	_ =	shalt  }
0x77: {  	_ =	shalt  }
0x78: {  	_ =	shalt  }
0x79: {  	_ =	shalt  }
0x7a: {  	_ =	shalt  }
0x7b: {  	_ =	shalt  }
0x7c: {  	_ =	shalt  }
0x7d: {  	_ =	shalt  }
0x7e: {  	_ =	shalt  }
0x7f: {  	_ =	shalt  }
0x80: {  	_ =	shalt  }
0x81: {  	_ =	shalt  }
0x82: {  	_ =	shalt  }
0x83: {  	_ =	shalt  }
0x84: {  	_ =	shalt  }
0x85: {  	_ =	shalt  }
0x86: {  	_ =	shalt  }
0x87: {  	_ =	shalt  }
.Lfunc_end0:
.L_simem_size_0:
called_computation_lowered:
.L_overlay_start_0:
0x88: {  	s2 =	sld [smem:$0x3FD9]  }
0x89: {  	s3 =	sld [smem:$0x3FFE];
	_ =	sdelay $0x1  }
0x8a: {  	s1 =	srdreg.scid  }
0x8b: {  	s0 =	sand.u32 $0x1, s1  }
0x8c: {  	s17 =	sshll.u32 s0, $0xA;
	s2 =	sadd.s32 s3, s2  }
0x8d: {  	s2 =	sadd.s32 s2, s17  }
0x8e: {  	[smem:$0x3FBF] =	sst s2  }
0x8f: {  	_ = 	snop  }
0x90: {  	s2 =	sld [smem:$0x3FD0];
	(tm) =	ssettm $0x1  }
0x91: {  	s18 =	sld [smem:$0x3FFB];
	_ =	sdelay $0x3  }
0x92: {  	_ =	strace s18  }
0x93: {  	s3 =	sld [smem:$0x3FFC];
	_ =	sdelay $0x3  }
0x94: {  	_ =	strace s3  }
0x95: {  	s3 =	sld [smem:$0x3FFD];
	_ =	sdelay $0x3  }
0x96: {  	_ =	strace s3  }
0x97: {  	_ =	strace $0x8FFFFFFF  }
0x98: {  	s19 =	sld [smem:$0x3FDB];
	_ =	sdelay $0x1  }
0x99: {  	s4 =	simm.s32 $_scs_section_size  }
0x9a: {  	s5 =	simm.s32 $_size__tile_overlayer_lowered;
	s6 =	simm.s32 $_tile_overlayer_lowered  }
0x9b: {  	s22 =	simm.s32 $0x1BFF;
	s21 =	sshll.u32 s6, $0x1;
	s3 =	sadd.s32 s4, s19  }
0x9c: {  	s7 =	simm.s32 $0x0;
	s20 =	sshll.u32 s5, $0x1;
	s5 =	sadd.s32 s21, s3  }
0x9d: {  	[timem:s7], [sflag:s22] =	dma.local [hbm:s5], s20  }
0x9e: {  	_ =	swait.ge [sflag:s22], s20  }
0x9f: {  	s4 =	ssub.s32 $0x0, s20;
	[sflag:s22] =	ssyncset.done $0x0  }
0xa0: {  	[sflag:s22] =	ssyncadd.s32 s4;
	_ =	sdelay $0x1  }
0xa1: {  	s23 =	simm.s32 $0x1B8B  }
0xa2: {  	_ =	swait.ge [sflag:s23], $0x1  }
0xa3: {  	[sflag:s23] =	ssyncset.done $0x0  }
0xa4: {  	s25 =	simm.s32 $0x1B8E;
	s24 =	sld [smem:$0x3FFE];
	[sflag:s23] =	ssyncadd.s32 $0xFFFFFFFF  }
0xa5: {  	s26 =	simm.s32 $execute0_lowered;
	[smem:$0x3FD2] =	sst s25  }
0xa6: {  	s5 =	sshll.u32 s26, $0x1;
	_ =	strace $0x80000046;
	[dreg:$0x1] =	wrdreg $0xFFFFFFFF  }
0xa7: {  	s28 =	simm.s32 $_size_execute0_lowered;
	s3 =	sadd.s32 s3, s5;
	[dreg:$0x0] =	wrdreg $0x0  }
0xa8: {  	s5 =	sshll.u32 s28, $0x1;
	[dreg:$0x2] =	wrdreg s3  }
0xa9: {  	[dreg:$0x3] =	wrdreg s5  }
0xaa: {  	[dreg:$0x4] =	wrdreg $0xC0  }
0xab: {  	_ =	task [dreg:s7], $0x5FFFF  }
0xac: {  	[dreg:$0x1] =	wrdreg $0xFFFFFFFF  }
0xad: {  	[dreg:$0x0] =	wrdreg $0x60  }
0xae: {  	[dreg:$0x2] =	wrdreg s24  }
0xaf: {  	[dreg:$0x3] =	wrdreg s2  }
0xb0: {  	[dreg:$0x4] =	wrdreg $0x0  }
0xb1: {  	[dreg:$0x5] =	wrdreg $0x9  }
0xb2: {  	_ =	task.clear_ibuf [dreg:s7], $0x6FFFF;
	_ =	strace $0x90000046  }
0xb3: {  	s29 =	simm.s32 $0x9;
	_ =	strace $0x80000048  }
0xb4: {  	_ =	swait.ge [sflag:s29], $0x1  }
0xb5: {  	[sflag:s29] =	ssyncadd.s32 $0xFFFFFFFF  }
0xb6: {  	_ =	strace $0x90000048  }
0xb7: {  	_ =	sfence  }
0xb8: {  	s30 =	sld [smem:$0x0];
	_ =	sdelay $0x2  }
0xb9: {  	s31 =	sshll.u32 s1, $0xD;
	s1 =	sshrl.u32 s1, $0x2  }
0xba: {  	s3 =	sand.u32 $0x4000, s31;
	s1 =	sadd.s32 s1, s30  }
0xbb: {  	s0 =	sor.u32 s3, s0;
	s1 =	sshll.u32 s1, $0x11  }
0xbc: {  	s0 =	sor.u32 s1, s0  }
0xbd: {  	s0 =	sadd.s32 $0x8F2B, s0  }
0xbe: {  	[sflag:s0] =	ssyncadd.remote.s32 $0x1  }
0xbf: {  	_ =	sfence.sel $0xFFFF  }
0xc0: {  	[dreg:$0x0] =	wrdreg $0xFFFFFFFF;
	(pc) =	sbr.abs _section_cstart, $3  }
0xc1: {  	[dreg:$0x1] =	wrdreg $0xFFFFFFFF  }
0xc2: {  	_ =	task.clear_ibuf [dreg:s7], $0x2FFFF;
	_ =	strace $0x9FFFFFFF  }
0xc3: {  	(tm) =	ssettm $0x7FFFFFFF  }
tec
execute0_lowered:
.L_overlay_start_1:
0x0: {  	(tag) =	ssettag $0x1  }
0x1: {  	s0 =	rddreg [dreg:$0x0]  }
0x2: {  	s2 =	rddreg [dreg:$0x1]  }
0x3: {  	s3 =	rddreg [dreg:$0x2];
	s4 =	simm.s32 $0x0  }
0x4: {  	s20 =	stileid.u32;
	s1 =	srdreg.scid;
	s30 =	simm.s32 $0x14180  }
0x5: {  	s28 =	simm.s32 $0x5;
	[smem:$0x7FF] =	sst s4;
	s1 =	sand.u32 $0x1, s1  }
0x6: {  	s6 =	sshll.u32 s20, $0x1;
	s5 =	sadd.s32 $0x2400, s0;
	s14 =	smul.u32 $0x2800, s20  }
0x7: {  	s7 =	sadd.s32 $0x29800, s0;
	s8 =	sadd.s32 $0x3D200, s0;
	s26 =	smul.u32 $0xEA60, s20  }
0x8: {  	_ =	strace $0x80000047;
	s9 =	sor.u32 s1, s6;
	s19 =	smul.u32 $0x7530, s1  }
0x9: {  	s6 =	sadd.s32 $0x15E00, s0;
	s10 =	ssub.s32 $0x2, s1;
	s11 =	smul.u32 $0x7530, s9  }
0xa: {  	p4 =	seq.s32 s1, $0x0;
	p5 =	seq.s32 s1, $0x1;
	s12 =	sshrl.u32 s10, $0x1  }
0xb: {  	p2 =	sgt.u32 s9, $0xA;
	s10 =	ssub.s32 s10, s12;
	s25 =	sadd.s32 $0xFFFB1E00, s11  }
0xc: {  	s15 =	sshrl.u32 s11, $0x3;
	s13 =	sadd.s32 $0xFFF63C00, s11;
	s22 =	sadd.s32 $0xFFF63C50, s11  }
0xd: {  	s16 =	sshrl.u32 s25, $0x3;
	s21 =	sadd.s32 s5, s15;
	s13 =	sshrl.u32 s13, $0x3  }
0xe: {  	s1 =	sshrl.u32 s22, $0x3;
	p0 =	sgt.u32 s25, $0x4E1FF;
	s25 =	sadd.s32 $0xFFFB1EA0, s11  }
0xf: {  	s22 =	sadd.s32 $0x64400, s0;
	s17 =	sadd.s32 s6, s16;
	[dreg:$0x4] =	wrdreg s21  }
0x10: {  	s13 =	sadd.s32 s7, s13;
	s1 =	sadd.s32 s7, s1;
	[dreg:$0x5] =	wrdreg s17  }
0x11: {  	s12 =	sshrl.u32 s25, $0x3;
	s16 =	sadd.s32 s7, s16;
	[dreg:$0x6] =	wrdreg s13  }
0x12: {  	s17 =	sadd.s32 $0xA, s15;
	s13 =	sadd.s32 s19, s26;
	[dreg:$0x9] =	wrdreg s1  }
0x13: {  	s1 =	simm.s32 @!p0 $0x0;
	s15 =	sadd.s32 s6, s15;
	[dreg:$0xd] =	wrdreg s16  }
0x14: {  	s26 =	sadd.s32 $0xFFF63CA0, s11;
	s18 =	sadd.s32 s5, s17;
	[dreg:$0xc] =	wrdreg s15  }
0x15: {  	s1 =	simm.s32 @p0 $0x1;
	s9 =	sshrl.u32 s26, $0x3;
	[dreg:$0x7] =	wrdreg s18  }
0x16: {  	s17 =	sadd.s32 s6, s17;
	s18 =	sadd.s32 $0xFFFB1E50, s11;
	[smem:$0x7ED] =	sst s1  }
0x17: {  	s9 =	sadd.s32 s7, s9;
	[dreg:$0xe] =	wrdreg s17;
	s17 =	stileid.u32  }
0x18: {  	s23 =	sshrl.u32 s18, $0x3;
	p0 =	sgt.u32 s18, $0x4E1FF;
	[dreg:$0xb] =	wrdreg s9  }
0x19: {  	s18 =	smul.u32 $0x50000, s17;
	p3 =	sne.s32 s17, $0xF;
	s24 =	sadd.s32 s6, s23  }
0x1a: {  	s11 =	simm.s32 @!p0 $0x0;
	s19 =	sadd.s32 s7, s23;
	[dreg:$0x8] =	wrdreg s24  }
0x1b: {  	s23 =	sadd.s32 $0xB2800, s0;
	s11 =	simm.s32 @p0 $0x1;
	[dreg:$0xf] =	wrdreg s19  }
0x1c: {  	p0 =	sgt.u32 s20, $0x7;
	s20 =	sadd.s32 s14, s0;
	[dreg:$0x10] =	wrdreg s23  }
0x1d: {  	s24 =	sadd.s32 $0xDA800, s0;
	s0 =	sadd.s32 $0xB0E00, s0;
	[smem:$0x7EE] =	sst s11  }
0x1e: {  	p6 =	seq.s32 s17, $0xF;
	s26 =	sadd.s32 s23, s14;
	[dreg:$0x12] =	wrdreg s0  }
0x1f: {  	s11 =	sadd.s32 s6, s12;
	p1 =	por !p0, !p0;
	[dreg:$0x15] =	wrdreg s26  }
0x20: {  	s0 =	simm.s32 @!p4 $0x0;
	[dreg:$0x11] =	wrdreg s24;
	s12 =	sadd.s32 $0x9C4A, s21  }
0x21: {  	[dreg:$0xa] =	wrdreg s11;
	p1 =	por @!p4 p0, p0;
	p0 =	sgt.u32 s25, $0x4E1FF  }
0x22: {  	s25 =	sadd.s32 $0x8B600, s20;
	s0 =	simm.s32 @p4 $0x1;
	[dreg:$0x1a] =	wrdreg s12  }
0x23: {  	p4 =	por !p4, !p3;
	s11 =	sadd.s32 $0x9C40, s21;
	[dreg:$0x14] =	wrdreg s25  }
0x24: {  	s1 =	simm.s32 @!p0 $0x0;
	s9 =	simm.s32 @!p1 $0x0;
	[smem:$0x7F2] =	sst s0  }
0x25: {  	s0 =	simm.s32 @!p5 $0x0;
	[dreg:$0x19] =	wrdreg s11;
	s1 =	simm.s32 @p0 $0x1  }
0x26: {  	p4 =	por !p4, !p4;
	s9 =	simm.s32 @p1 $0x1;
	[smem:$0x7EF] =	sst s1  }
0x27: {  	s0 =	simm.s32 @p5 $0x1;
	[smem:$0x7F0] =	sst s9;
	s9 =	simm.s32 @!p6 $0x0  }
0x28: {  	[smem:$0x7F3] =	sst s0;
	s0 =	simm.s32 @!p4 $0x0;
	s9 =	simm.s32 @p6 $0x1  }
0x29: {  	s1 =	sshrl.u32 s18, $0x2;
	s0 =	simm.s32 @p4 $0x1;
	[smem:$0x7F1] =	sst s9  }
0x2a: {  	s18 =	sadd.s32 s1, s3;
	s1 =	sadd.s32 s24, s14;
	[smem:$0x7F4] =	sst s0  }
0x2b: {  	s29 =	simm.s32 $0x8;
	s14 =	sadd.s32 $0x12C000, s3;
	[dreg:$0x16] =	wrdreg s1  }
0x2c: {  	s31 =	simm.s32 $0x14200;
	s12 =	simm.s32 $0x0;
	[dreg:$0x1b] =	wrdreg s14  }
0x2d: {  	s11 =	simm.s32 $0x16B00;
	s9 =	smax.u32 s10, $0x1;
	[dreg:$0x13] =	wrdreg s18  }
0x2e: {  	p0 =	por !p3, !p1;
	s10 =	sadd.s32 $0x14, s21;
	[dreg:$0x17] =	wrdreg s9  }
0x2f: {  	p1 =	por !p6, !p1;
	s15 =	sadd.s32 $0x2000, s18;
	[dreg:$0x18] =	wrdreg s10  }
0x30: {  	p3 =	por !p3, !p5;
	s16 =	sadd.s32 $0x4000, s18;
	[dreg:$0x1c] =	wrdreg s15  }
0x31: {  	p0 =	por !p0, !p0;
	s19 =	sadd.s32 $0x6000, s18;
	[dreg:$0x1d] =	wrdreg s16  }
0x32: {  	p1 =	por !p1, !p1;
	s20 =	sadd.s32 $0x8000, s18;
	[dreg:$0x1e] =	wrdreg s19  }
0x33: {  	p3 =	por !p3, !p3;
	s21 =	sadd.s32 $0xA000, s18;
	[dreg:$0x1f] =	wrdreg s20  }
0x34: {  	p6 =	slt.u32 s17, $0xB;
	s23 =	sadd.s32 $0xC000, s18;
	[smem:$0x7F8] =	sst s21  }
0x35: {  	s0 =	simm.s32 @!p3 $0x0;
	s24 =	sadd.s32 $0xE000, s18;
	[smem:$0x7F9] =	sst s23  }
0x36: {  	s25 =	sadd.s32 $0x10000, s18;
	s26 =	sadd.s32 $0x12000, s18;
	[smem:$0x7FA] =	sst s24  }
0x37: {  	s1 =	simm.s32 @!p2 $0x0;
	s0 =	simm.s32 @p3 $0x1;
	[smem:$0x7FB] =	sst s25  }
0x38: {  	[smem:$0x7FC] =	sst s26;
	s15 =	simm.s32 $0x7;
	s16 =	simm.s32 $0x50  }
0x39: {  	s24 =	simm.s32 $0x14300;
	s19 =	simm.s32 $0xA;
	s20 =	simm.s32 $0x14280  }
.Ltmp0:
0x3a: {  	[smem:$0x7F5] =	sst s0;
	s0 =	simm.s32 @!p0 $0x0;
	(pc) =	sbr.rel .LBB2_1-.Ltmp0, $4  }
0x3b: {  	s21 =	simm.s32 $0x3;
	s0 =	simm.s32 @p0 $0x1;
	p0 =	por !p1, p0  }
0x3c: {  	s1 =	simm.s32 @p2 $0x1;
	[smem:$0x7F6] =	sst s0;
	s0 =	simm.s32 @!p0 $0x0  }
0x3d: {  	s25 =	simm.s32 $0x19300;
	[smem:$0x7FD] =	sst s1;
	s0 =	simm.s32 @p0 $0x1  }
0x3e: {  	v0 =	vimm.f32 $0.0e+00;
	s23 =	simm.s32 $0x9;
	[smem:$0x7F7] =	sst s0;
	s0 =	simm.s32 $0x6  }
.LBB2_10:
0x3f: {  	s12 =	sadd.s32 $0x1, s12;
	s1 =	rddreg [dreg:$0x17]  }
0x40: {  	p0 =	sne.s32 s12, s1  }
.Ltmp1:
0x41: {  	_ = 	snop;
	(pc) =	sbr.rel @!p0 .LBB2_11-.Ltmp1, $2  }
0x42: {  	s26 =	sld [smem:$0x7FD];
	_ =	sdelay $0x2  }
0x43: {  	s31 =	simm.s32 $0x14200;
	s11 =	simm.s32 $0x16B00;
	p2 =	seq.s32 s26, $0x1  }
.LBB2_1:
0x44: {  	[smem:$0x7EA] =	sst s12  }
0x45: {  	s12 =	sld [smem:$0x7ED]  }
0x46: {  	s1 =	simm.s32 @!p2 $0x0;
	s10 =	simm.s32 @!p2 $0x14000;
	s9 =	rddreg [dreg:$0x4]  }
0x47: {  	[tilespmem:s10], [sflag:$0x1] =	stream.linear.gather @!p2 [hbm4b:s9+s1], $0x50, $0x38;
	[tilespmem:$0x1DB00] =	vst v63  }
0x48: {  	p0 =	seq.s32 s12, $0x1  }
0x49: {  	s9 =	rddreg [dreg:$0x5];
	s12 =	simm.s32 @!p0 $0x14000  }
0x4a: {  	s14 =	simm.s32 @!p0 $0x0;
	s10 =	simm.s32 @!p0 $0x14000;
	[smem:$0x7EB] =	sst s12  }
0x4b: {  	[tilespmem:s10], [sflag:$0x1] =	stream.linear.gather @!p0 [hbm4b:s9+s14], $0x50, $0x38;
	[tilespmem:$0x1DB00] =	vst v63  }
0x4c: {  	s14 =	sld [smem:$0x7EE]  }
0x4d: {  	s26 =	simm.s32 @!p6 $0x0;
	s10 =	simm.s32 @!p6 $0x14000;
	s9 =	rddreg [dreg:$0x6]  }
0x4e: {  	[tilespmem:s10], [sflag:$0x1] =	stream.linear.gather @!p6 [hbm4b:s9+s26], $0x50, $0x38;
	[tilespmem:$0x1DB00] =	vst v63  }
0x4f: {  	s10 =	simm.s32 @!p2 $0x14080;
	s9 =	rddreg [dreg:$0x7];
	p1 =	seq.s32 s14, $0x1  }
0x50: {  	[tilespmem:s10], [sflag:$0x2] =	stream.linear.gather @!p2 [hbm4b:s9+s1], $0x50, $0x38;
	[tilespmem:$0x1DB00] =	vst v63  }
0x51: {  	s9 =	rddreg [dreg:$0x8];
	s10 =	simm.s32 @!p1 $0x14080  }
0x52: {  	s14 =	simm.s32 @!p1 $0x0;
	s12 =	simm.s32 @!p1 $0x14080;
	[smem:$0x7EC] =	sst s10  }
0x53: {  	[tilespmem:s12], [sflag:$0x2] =	stream.linear.gather @!p1 [hbm4b:s9+s14], $0x50, $0x38;
	[tilespmem:$0x1DB00] =	vst v63  }
0x54: {  	s10 =	simm.s32 @!p6 $0x14080;
	s9 =	rddreg [dreg:$0x9]  }
0x55: {  	[tilespmem:s10], [sflag:$0x2] =	stream.linear.gather @!p6 [hbm4b:s9+s26], $0x50, $0x38;
	[tilespmem:$0x1DB00] =	vst v63  }
0x56: {  	s10 =	simm.s32 @!p2 $0x14100;
	s9 =	rddreg [dreg:$0x18]  }
0x57: {  	[tilespmem:s10], [sflag:$0x3] =	stream.linear.gather @!p2 [hbm4b:s9+s1], $0x50, $0x38;
	[tilespmem:$0x1DB00] =	vst v63  }
0x58: {  	s10 =	sld [smem:$0x7EF];
	_ =	sdelay $0x2  }
0x59: {  	p3 =	seq.s32 s10, $0x1  }
0x5a: {  	s9 =	rddreg [dreg:$0xa];
	s14 =	simm.s32 @!p3 $0x0;
	s10 =	simm.s32 @!p3 $0x14100  }
0x5b: {  	[tilespmem:s10], [sflag:$0x3] =	stream.linear.gather @!p3 [hbm4b:s9+s14], $0x50, $0x38;
	[tilespmem:$0x1DB00] =	vst v63  }
0x5c: {  	s10 =	simm.s32 @!p6 $0x14100;
	s9 =	rddreg [dreg:$0xb]  }
0x5d: {  	[tilespmem:s10], [sflag:$0x3] =	stream.linear.gather @!p6 [hbm4b:s9+s26], $0x50, $0x38;
	[tilespmem:$0x1DB00] =	vst v63  }
0x5e: {  	s10 =	simm.s32 @!p2 $0x14180;
	s9 =	rddreg [dreg:$0x19]  }
0x5f: {  	[tilespmem:s10], [sflag:$0x7] =	stream.linear.gather @!p2 [hbm4b:s9+s1], $0x50, $0x38;
	[tilespmem:$0x1DB00] =	vst v63  }
0x60: {  	s14 =	simm.s32 @!p0 $0x0;
	s10 =	simm.s32 @!p0 $0x14180;
	s9 =	rddreg [dreg:$0xc]  }
0x61: {  	[tilespmem:s10], [sflag:$0x7] =	stream.linear.gather @!p0 [hbm4b:s9+s14], $0x50, $0x38;
	[tilespmem:$0x1DB00] =	vst v63  }
0x62: {  	s10 =	simm.s32 @!p6 $0x14180;
	s9 =	rddreg [dreg:$0xd]  }
0x63: {  	[tilespmem:s10], [sflag:$0x7] =	stream.linear.gather @!p6 [hbm4b:s9+s26], $0x50, $0x38;
	[tilespmem:$0x1DB00] =	vst v63  }
0x64: {  	s10 =	simm.s32 @!p2 $0x14200;
	s9 =	rddreg [dreg:$0x1a]  }
0x65: {  	[tilespmem:s10], [sflag:$0x8] =	stream.linear.gather @!p2 [hbm4b:s9+s1], $0x50, $0x38;
	[tilespmem:$0x1DB00] =	vst v63  }
0x66: {  	s12 =	simm.s32 @!p1 $0x0;
	s1 =	simm.s32 @!p1 $0x14200;
	s9 =	rddreg [dreg:$0xe]  }
0x67: {  	[tilespmem:s1], [sflag:$0x8] =	stream.linear.gather @!p1 [hbm4b:s9+s12], $0x50, $0x38;
	[tilespmem:$0x1DB00] =	vst v63  }
0x68: {  	s12 =	sld [smem:$0x7F7]  }
0x69: {  	s1 =	simm.s32 @!p6 $0x14200;
	s9 =	rddreg [dreg:$0xf]  }
0x6a: {  	[tilespmem:s1], [sflag:$0x8] =	stream.linear.gather @!p6 [hbm4b:s9+s26], $0x50, $0x38;
	[tilespmem:$0x1DB00] =	vst v63  }
0x6b: {  	s1 =	rddreg [dreg:$0x1b];
	p3 =	seq.s32 s12, $0x1  }
0x6c: {  	s9 =	rddreg [dreg:$0x12];
	s1 =	sshrl.u32 @!p3 s1, $0x3;
	s10 =	simm.s32 @!p3 $0x1FC4  }
0x6d: {  	[spmem:s1], [sflag:s10] =	dma.local @!p3 [hbm:s9], $0x1900  }
0x6e: {  	s1 =	simm.s32 @!p3 $0x4  }
0x6f: {  	_ =	swait.ge @!p3 [sflag:s1], $0x1900  }
0x70: {  	s14 =	sld [smem:$0x7F6];
	_ =	sdelay $0x2  }
0x71: {  	p0 =	seq.s32 s14, $0x1  }
0x72: {  	[sflag:s1] =	ssyncset.done @!p3 $0x0;
	s9 =	rddreg [dreg:$0x14];
	s10 =	sshll.u32 @p0 s17, $0x6  }
0x73: {  	[sflag:s1] =	ssyncadd.s32 @!p3 $0xFFFFE700;
	s1 =	sor.u32 @p0 $0x1C04, s10;
	s10 =	sshrl.u32 @p0 s18, $0x3  }
0x74: {  	[spmem:s10], [sflag:s1] =	dma.local @p0 [hbm:s9], $0x2800  }
0x75: {  	s1 =	simm.s32 @p0 $0x4  }
0x76: {  	_ =	swait.ge @p0 [sflag:s1], $0x2800  }
0x77: {  	s26 =	sld [smem:$0x7F0];
	_ =	sdelay $0x1  }
0x78: {  	[sflag:s1] =	ssyncset.done @p0 $0x0  }
0x79: {  	[sflag:s1] =	ssyncadd.s32 @p0 $0xFFFFD800;
	p0 =	seq.s32 s26, $0x1  }
.Ltmp2:
0x7a: {  	s17 =	sld [smem:$0x7F1];
	(pc) =	sbr.rel @p0 .LBB2_5-.Ltmp2, $3  }
0x7b: {  	_ =	sdelay $0x1  }
0x7c: {  	p1 =	por @!p3 $0x1, $0x1;
	p4 =	seq.s32 s17, $0x1  }
0x7d: {  	p4 =	por @!p3 p1, p1  }
0x7e: {  	s1 =	sshra.s32 s4, $0x2;
	s10 =	sadd.s32 $0x200, s4  }
.LBB2_3:
0x7f: {  	p1 =	sne.s32 s10, $0x7E00;
	[tilespmem:s1+$0x1BB70] =	vst v0  }
0x80: {  	[tilespmem:s1+$0x1BB00] =	vst v0  }
0x81: {  	[tilespmem:s1+$0x1BB10] =	vst v0  }
.Ltmp3:
0x82: {  	[tilespmem:s1+$0x1BB20] =	vst v0;
	(pc) =	sbr.rel @p1 .LBB2_3-.Ltmp3, $4  }
0x83: {  	[tilespmem:s1+$0x1BB30] =	vst v0  }
0x84: {  	[tilespmem:s1+$0x1BB40] =	vst v0  }
0x85: {  	[tilespmem:s1+$0x1BB50] =	vst v0  }
0x86: {  	[tilespmem:s1+$0x1BB60] =	vst v0;
	s1 =	sshra.s32 s10, $0x2;
	s10 =	sadd.s32 $0x200, s10  }
0x87: {  	[tilespmem:s1+$0x1BB70] =	vst v0  }
0x88: {  	[tilespmem:s1+$0x1BB00] =	vst v0  }
0x89: {  	[tilespmem:s1+$0x1BB10] =	vst v0  }
0x8a: {  	[tilespmem:s1+$0x1BB20] =	vst v0  }
0x8b: {  	[tilespmem:s1+$0x1BB30] =	vst v0  }
0x8c: {  	[tilespmem:s1+$0x1BB40] =	vst v0  }
0x8d: {  	[tilespmem:s1+$0x1BB50] =	vst v0  }
0x8e: {  	[tilespmem:s1+$0x1BB60] =	vst v0;
	s9 =	simm.s32 $0x1BB00  }
0x8f: {  	[spmem:s18] =	stream.linear.scatter [tilespmem:s9], [sflag:$0xA], $0x2000, $0x38;
	[tilespmem:$0x1DB00] =	vst v63  }
0x90: {  	_ =	swait.ge [sflag:s19], $0x2000  }
0x91: {  	[sflag:s19] =	ssyncset.done $0x0  }
0x92: {  	s17 =	rddreg [dreg:$0x1c];
	[sflag:s19] =	ssyncadd.s32 $0xFFFFE000  }
0x93: {  	[spmem:s17] =	stream.linear.scatter [tilespmem:s9], [sflag:$0xA], $0x2000, $0x38;
	[tilespmem:$0x1DB00] =	vst v63  }
0x94: {  	_ =	swait.ge [sflag:s19], $0x2000  }
0x95: {  	[sflag:s19] =	ssyncset.done $0x0  }
0x96: {  	s18 =	rddreg [dreg:$0x1d];
	[sflag:s19] =	ssyncadd.s32 $0xFFFFE000  }
0x97: {  	[spmem:s18] =	stream.linear.scatter [tilespmem:s9], [sflag:$0xA], $0x2000, $0x38;
	[tilespmem:$0x1DB00] =	vst v63  }
0x98: {  	_ =	swait.ge [sflag:s19], $0x2000  }
0x99: {  	[sflag:s19] =	ssyncset.done $0x0  }
0x9a: {  	s26 =	rddreg [dreg:$0x1e];
	[sflag:s19] =	ssyncadd.s32 $0xFFFFE000  }
0x9b: {  	[spmem:s26] =	stream.linear.scatter [tilespmem:s9], [sflag:$0xA], $0x2000, $0x38;
	[tilespmem:$0x1DB00] =	vst v63  }
0x9c: {  	_ =	swait.ge [sflag:s19], $0x2000  }
0x9d: {  	[sflag:s19] =	ssyncset.done $0x0  }
0x9e: {  	s10 =	rddreg [dreg:$0x1f];
	[sflag:s19] =	ssyncadd.s32 $0xFFFFE000  }
0x9f: {  	[spmem:s10] =	stream.linear.scatter [tilespmem:s9], [sflag:$0xA], $0x2000, $0x38;
	[tilespmem:$0x1DB00] =	vst v63  }
0xa0: {  	_ =	swait.ge [sflag:s19], $0x2000  }
0xa1: {  	s12 =	sld [smem:$0x7F8]  }
0xa2: {  	[sflag:s19] =	ssyncset.done $0x0  }
0xa3: {  	[sflag:s19] =	ssyncadd.s32 $0xFFFFE000  }
0xa4: {  	[spmem:s12] =	stream.linear.scatter [tilespmem:s9], [sflag:$0xA], $0x2000, $0x38;
	[tilespmem:$0x1DB00] =	vst v63  }
0xa5: {  	_ =	swait.ge [sflag:s19], $0x2000  }
0xa6: {  	s14 =	sld [smem:$0x7F9]  }
0xa7: {  	[sflag:s19] =	ssyncset.done $0x0  }
0xa8: {  	[sflag:s19] =	ssyncadd.s32 $0xFFFFE000  }
0xa9: {  	[spmem:s14] =	stream.linear.scatter [tilespmem:s9], [sflag:$0xA], $0x2000, $0x38;
	[tilespmem:$0x1DB00] =	vst v63  }
0xaa: {  	_ =	swait.ge [sflag:s19], $0x2000  }
0xab: {  	s17 =	sld [smem:$0x7FA]  }
0xac: {  	[sflag:s19] =	ssyncset.done $0x0  }
0xad: {  	[sflag:s19] =	ssyncadd.s32 $0xFFFFE000  }
0xae: {  	[spmem:s17] =	stream.linear.scatter [tilespmem:s9], [sflag:$0xA], $0x2000, $0x38;
	[tilespmem:$0x1DB00] =	vst v63  }
0xaf: {  	_ =	swait.ge [sflag:s19], $0x2000  }
0xb0: {  	s18 =	sld [smem:$0x7FB]  }
0xb1: {  	[sflag:s19] =	ssyncset.done $0x0  }
0xb2: {  	[sflag:s19] =	ssyncadd.s32 $0xFFFFE000  }
0xb3: {  	[spmem:s18] =	stream.linear.scatter [tilespmem:s9], [sflag:$0xA], $0x2000, $0x38;
	[tilespmem:$0x1DB00] =	vst v63  }
0xb4: {  	_ =	swait.ge [sflag:s19], $0x2000  }
0xb5: {  	s26 =	sld [smem:$0x7FC]  }
0xb6: {  	[sflag:s19] =	ssyncset.done $0x0  }
0xb7: {  	[sflag:s19] =	ssyncadd.s32 $0xFFFFE000  }
0xb8: {  	[spmem:s26] =	stream.linear.scatter [tilespmem:s9], [sflag:$0xA], $0x2000, $0x38;
	[tilespmem:$0x1DB00] =	vst v63  }
0xb9: {  	_ =	swait.ge [sflag:s19], $0x2000  }
0xba: {  	[sflag:s19] =	ssyncset.done $0x0  }
0xbb: {  	[sflag:s19] =	ssyncadd.s32 $0xFFFFE000  }
.LBB2_5:
0xbc: {  	[bflag:$0x0] =	sbarrier.arrive $0xFFFF;
	s1 =	simm.s32 $0x1  }
0xbd: {  	_ =	swait.ge [sflag:s1], $0x50  }
0xbe: {  	s10 =	simm.s32 @!p2 $0x14300;
	s9 =	simm.s32 @!p2 $0x14000;
	[sflag:s1] =	ssyncset.done $0x0  }
0xbf: {  	s14 =	sld [smem:$0x7ED];
	[sflag:s1] =	ssyncadd.s32 $0xFFFFFFB0;
	s1 =	simm.s32 @!p2 $0x50  }
0xc0: {  	[tilespmem:s10], [sflag:$0x4] =	stream.indirect.gather @!p2 [hbm4b:s2+s1], $0x80, s9, s1, $0xb8;
	[tilespmem:$0x1DB00] =	vst v63  }
0xc1: {  	s9 =	sld [smem:$0x7EB]  }
0xc2: {  	p0 =	seq.s32 s14, $0x1  }
0xc3: {  	s17 =	simm.s32 $0x2;
	s10 =	simm.s32 @!p0 $0x50;
	s26 =	simm.s32 @!p0 $0x14300  }
0xc4: {  	[tilespmem:s26], [sflag:$0x4] =	stream.indirect.gather @!p0 [hbm4b:s8+s10], $0x80, s9, s10, $0xb8;
	[tilespmem:$0x1DB00] =	vst v63  }
0xc5: {  	s10 =	simm.s32 @!p6 $0x50;
	s26 =	simm.s32 @!p6 $0x14300;
	s9 =	simm.s32 @!p6 $0x14000  }
0xc6: {  	[tilespmem:s26], [sflag:$0x4] =	stream.indirect.gather @!p6 [hbm4b:s22+s10], $0x80, s9, s10, $0xb8;
	[tilespmem:$0x1DB00] =	vst v63  }
0xc7: {  	_ =	swait.ge [sflag:s17], $0x50  }
0xc8: {  	s26 =	simm.s32 @!p2 $0x16B00;
	[sflag:s17] =	ssyncset.done $0x0  }
0xc9: {  	s9 =	simm.s32 @!p2 $0x14080;
	s18 =	sld [smem:$0x7EE];
	[sflag:s17] =	ssyncadd.s32 $0xFFFFFFB0  }
0xca: {  	[tilespmem:s26], [sflag:$0x5] =	stream.indirect.gather @!p2 [hbm4b:s2+s1], $0x80, s9, s1, $0xb8;
	[tilespmem:$0x1DB00] =	vst v63  }
0xcb: {  	s9 =	sld [smem:$0x7EC]  }
0xcc: {  	p0 =	seq.s32 s18, $0x1  }
0xcd: {  	s1 =	simm.s32 @!p0 $0x50;
	s26 =	simm.s32 @!p0 $0x16B00  }
0xce: {  	[tilespmem:s26], [sflag:$0x5] =	stream.indirect.gather @!p0 [hbm4b:s8+s1], $0x80, s9, s1, $0xb8;
	[tilespmem:$0x1DB00] =	vst v63  }
0xcf: {  	s26 =	sld [smem:$0x7F6]  }
0xd0: {  	s1 =	simm.s32 @!p6 $0x16B00;
	s9 =	simm.s32 @!p6 $0x14080  }
0xd1: {  	[tilespmem:s1], [sflag:$0x5] =	stream.indirect.gather @!p6 [hbm4b:s22+s10], $0x80, s9, s10, $0xb8;
	[tilespmem:$0x1DB00] =	vst v63  }
0xd2: {  	p0 =	seq.s32 s26, $0x1  }
0xd3: {  	p1 =	por @p0 $0x0, $0x0  }
0xd4: {  	p1 =	por @!p0 p4, p4  }
0xd5: {  	s1 =	simm.s32 @!p1 $0x0  }
0xd6: {  	s1 =	simm.s32 @p1 $0x1  }
0xd7: {  	s9 =	simm.s32 $0x14100;
	s26 =	simm.s32 $0x0;
	[smem:$0x7E9] =	sst s1  }
.LBB2_6:
0xd8: {  	s1 =	simm.s32 $0x4  }
0xd9: {  	_ =	swait.ge [sflag:s1], $0x2800  }
0xda: {  	p1 =	seq.s32 s26, $0x7440;
	[sflag:s1] =	ssyncset.done $0x0  }
0xdb: {  	[sflag:s1] =	ssyncadd.s32 $0xFFFFD800;
	s1 =	sadd.s32 @!p1 s26, s13  }
0xdc: {  	_ =	swait.ge [sflag:s15], $0x50;
	s1 =	sadd.s32 @!p1 $0xF0, s1  }
0xdd: {  	[sflag:s15] =	ssyncset.done $0x0;
	p4 =	slt.u32 @!p1 s1, $0x4E200  }
0xde: {  	[sflag:s15] =	ssyncadd.s32 $0xFFFFFFB0;
	p5 =	por p4, p1  }
0xdf: {  	[spmem:s3] =	stream.indirect.scatter.add.f32 [tilespmem:s24], [sflag:$0xA], $0x80, s30, s16, $0xb8;
	[tilespmem:$0x1DB00] =	vst v63  }
0xe0: {  	s10 =	sadd.s32 @!p5 s26, s13  }
0xe1: {  	s17 =	sadd.s32 @!p5 $0xFFFB1EF0, s10  }
0xe2: {  	p0 =	slt.u32 @!p5 s17, $0x4E200  }
0xe3: {  	_ =	swait.ge [sflag:s19], $0x2800;
	p0 =	por @!p1 !p0, p4  }
0xe4: {  	s10 =	sadd.s32 @!p5 $0xFFF63CF0, s10;
	[sflag:s19] =	ssyncset.done $0x0;
	p0 =	por !p0, p1  }
0xe5: {  	p4 =	por !p4, p1;
	s10 =	smov.u32 @p0 s17;
	s17 =	smov.u32 s7  }
0xe6: {  	s17 =	smov.u32 @p0 s6;
	s1 =	smov.u32 @p4 s10;
	s10 =	smov.u32 s5  }
0xe7: {  	[sflag:s19] =	ssyncadd.s32 $0xFFFFD800;
	s10 =	smov.u32 @p4 s17;
	s1 =	sshrl.u32 @!p1 s1, $0x3  }
0xe8: {  	s17 =	simm.s32 @!p1 $0x14000;
	s1 =	sadd.s32 @!p1 s10, s1;
	s10 =	simm.s32 @!p1 $0x0  }
0xe9: {  	[tilespmem:s17], [sflag:$0x1] =	stream.linear.gather @!p1 [hbm4b:s1+s10], $0x50, $0x38;
	[tilespmem:$0x1DB00] =	vst v63  }
0xea: {  	s1 =	sadd.s32 s26, s13  }
0xeb: {  	s10 =	sadd.s32 $0xA0, s1  }
0xec: {  	p4 =	slt.u32 s10, $0x4E200  }
0xed: {  	s17 =	sadd.s32 @!p4 s26, s13  }
0xee: {  	s17 =	sadd.s32 @!p4 $0xFFFB1EA0, s17  }
0xef: {  	p0 =	slt.u32 @!p4 s17, $0x4E200  }
0xf0: {  	s18 =	sadd.s32 @p4 s26, s13;
	p0 =	por !p0, p4  }
0xf1: {  	s18 =	sadd.s32 @p4 $0x4E2A0, s18;
	s10 =	smov.u32 @p0 s17;
	s17 =	smov.u32 s6  }
0xf2: {  	s10 =	smov.u32 @p4 s18;
	s17 =	smov.u32 @p0 s7  }
0xf3: {  	s17 =	smov.u32 @p4 s5;
	s10 =	sshrl.u32 s10, $0x3  }
0xf4: {  	s10 =	sadd.s32 s17, s10  }
0xf5: {  	[tilespmem:s20], [sflag:$0x9] =	stream.linear.gather [hbm4b:s10+s4], $0x50, $0x38;
	[tilespmem:$0x1DB00] =	vst v63  }
0xf6: {  	s10 =	smov.u32 s8;
	_ =	swait.ge [sflag:s21], $0x50  }
0xf7: {  	s10 =	smov.u32 @p0 s22;
	[sflag:s21] =	ssyncset.done $0x0  }
0xf8: {  	s10 =	smov.u32 @p4 s2;
	[sflag:s21] =	ssyncadd.s32 $0xFFFFFFB0  }
0xf9: {  	[tilespmem:s25], [sflag:$0x6] =	stream.indirect.gather [hbm4b:s10+s16], $0x80, s9, s16, $0xb8;
	[tilespmem:$0x1DB00] =	vst v63  }
0xfa: {  	_ =	swait.ge [sflag:s28], $0x2800  }
0xfb: {  	[sflag:s28] =	ssyncset.done $0x0  }
0xfc: {  	[sflag:s28] =	ssyncadd.s32 $0xFFFFD800  }
0xfd: {  	_ =	swait.ge [sflag:s29], $0x50  }
0xfe: {  	[sflag:s29] =	ssyncset.done $0x0  }
.Ltmp4:
0xff: {  	[sflag:s29] =	ssyncadd.s32 $0xFFFFFFB0;
	(pc) =	sbr.rel @p1 .LBB2_8-.Ltmp4, $4  }
0x100: {  	[spmem:s3] =	stream.indirect.scatter.add.f32 [tilespmem:s11], [sflag:$0xA], $0x80, s31, s16, $0xb8;
	[tilespmem:$0x1DB00] =	vst v63  }
0x101: {  	_ =	swait.ge [sflag:s19], $0x2800  }
0x102: {  	s12 =	simm.s32 $0x16B00;
	s25 =	simm.s32 $0x14200;
	[sflag:s19] =	ssyncset.done $0x0  }
0x103: {  	s11 =	simm.s32 $0x19300;
	s31 =	simm.s32 $0x14100;
	[sflag:s19] =	ssyncadd.s32 $0xFFFFD800  }
0x104: {  	s10 =	sadd.s32 $0x140, s1  }
0x105: {  	p4 =	slt.u32 s10, $0x4E200  }
0x106: {  	s17 =	sadd.s32 @!p4 s26, s13  }
0x107: {  	s9 =	sadd.s32 @!p4 $0xFFFB1F40, s17  }
0x108: {  	p0 =	slt.u32 @!p4 s9, $0x4E200  }
0x109: {  	s17 =	sadd.s32 @!p4 $0xFFF63D40, s17;
	s18 =	smov.u32 s9;
	p1 =	por !p0, p4  }
0x10a: {  	s18 =	smov.u32 @p1 s17;
	s17 =	smov.u32 s6  }
0x10b: {  	s17 =	smov.u32 @p1 s7;
	s18 =	smov.u32 @p4 s10  }
0x10c: {  	s17 =	smov.u32 @p4 s5;
	s18 =	sshrl.u32 s18, $0x3  }
0x10d: {  	s14 =	simm.s32 $0x14080;
	s18 =	sadd.s32 s17, s18  }
0x10e: {  	[tilespmem:s14], [sflag:$0x2] =	stream.linear.gather [hbm4b:s18+s4], $0x50, $0x38;
	[tilespmem:$0x1DB00] =	vst v63  }
0x10f: {  	s18 =	sadd.s32 $0xF0, s1  }
0x110: {  	p5 =	slt.u32 s18, $0x4E200  }
0x111: {  	s24 =	sadd.s32 @!p5 s26, s13  }
0x112: {  	s24 =	sadd.s32 @!p5 $0xFFFB1EF0, s24  }
0x113: {  	p0 =	slt.u32 @!p5 s24, $0x4E200  }
0x114: {  	s30 =	sadd.s32 @p5 s26, s13;
	p0 =	por !p0, p5  }
0x115: {  	s30 =	sadd.s32 @p5 $0x4E2F0, s30;
	s18 =	smov.u32 @p0 s24;
	s24 =	smov.u32 s6  }
0x116: {  	s18 =	smov.u32 @p5 s30;
	s24 =	smov.u32 @p0 s7  }
0x117: {  	s24 =	smov.u32 @p5 s5;
	s18 =	sshrl.u32 s18, $0x3  }
0x118: {  	s30 =	simm.s32 $0x14180;
	s18 =	sadd.s32 s24, s18;
	s24 =	simm.s32 $0x1  }
0x119: {  	[tilespmem:s30], [sflag:$0x7] =	stream.linear.gather [hbm4b:s18+s4], $0x50, $0x38;
	[tilespmem:$0x1DB00] =	vst v63  }
0x11a: {  	s20 =	simm.s32 $0x14300;
	s18 =	smov.u32 s8;
	_ =	swait.ge [sflag:s24], $0x50  }
0x11b: {  	s1 =	sadd.s32 $0x190, s1;
	s18 =	smov.u32 @p0 s22;
	[sflag:s24] =	ssyncset.done $0x0  }
0x11c: {  	s18 =	smov.u32 @p5 s2;
	[sflag:s24] =	ssyncadd.s32 $0xFFFFFFB0;
	s24 =	simm.s32 $0x14000  }
0x11d: {  	[tilespmem:s20], [sflag:$0x4] =	stream.indirect.gather [hbm4b:s18+s16], $0x80, s24, s16, $0xb8;
	[tilespmem:$0x1DB00] =	vst v63  }
0x11e: {  	p0 =	slt.u32 s1, $0x4E200;
	_ =	swait.ge [sflag:s0], $0x2800  }
0x11f: {  	s18 =	sadd.s32 @!p0 s26, s13;
	[sflag:s0] =	ssyncset.done $0x0  }
0x120: {  	s24 =	sadd.s32 @!p0 $0xFFFB1F90, s18;
	[sflag:s0] =	ssyncadd.s32 $0xFFFFD800  }
0x121: {  	s20 =	simm.s32 $0x14280;
	p5 =	slt.u32 @!p0 s24, $0x4E200;
	_ =	swait.ge [sflag:s23], $0x50  }
0x122: {  	s18 =	sadd.s32 @!p0 $0xFFF63D90, s18;
	p5 =	por !p5, p0;
	[sflag:s23] =	ssyncset.done $0x0  }
0x123: {  	s24 =	smov.u32 @p5 s18;
	s18 =	smov.u32 s6;
	[sflag:s23] =	ssyncadd.s32 $0xFFFFFFB0  }
0x124: {  	[spmem:s3] =	stream.indirect.scatter.add.f32 [tilespmem:s11], [sflag:$0xA], $0x80, s20, s16, $0xb8;
	[tilespmem:$0x1DB00] =	vst v63  }
0x125: {  	s24 =	smov.u32 @p0 s1;
	s18 =	smov.u32 @p5 s7;
	_ =	swait.ge [sflag:s19], $0x2800  }
0x126: {  	s18 =	smov.u32 @p0 s5;
	s1 =	sshrl.u32 s24, $0x3;
	[sflag:s19] =	ssyncset.done $0x0  }
0x127: {  	s1 =	sadd.s32 s18, s1;
	[sflag:s19] =	ssyncadd.s32 $0xFFFFD800  }
0x128: {  	[tilespmem:s31], [sflag:$0x3] =	stream.linear.gather [hbm4b:s1+s4], $0x50, $0x38;
	[tilespmem:$0x1DB00] =	vst v63  }
0x129: {  	s1 =	sadd.s32 @p4 s26, s13  }
0x12a: {  	s10 =	smov.u32 @p1 s9;
	s1 =	sadd.s32 @p4 $0x4E340, s1  }
0x12b: {  	s10 =	smov.u32 @p4 s1  }
0x12c: {  	s1 =	sshrl.u32 s10, $0x3  }
0x12d: {  	s9 =	simm.s32 $0x14100;
	s24 =	simm.s32 $0x14300;
	s1 =	sadd.s32 s17, s1  }
0x12e: {  	[tilespmem:s25], [sflag:$0x8] =	stream.linear.gather [hbm4b:s1+s4], $0x50, $0x38;
	[tilespmem:$0x1DB00] =	vst v63  }
.Ltmp5:
0x12f: {  	s11 =	simm.s32 $0x16B00;
	s25 =	simm.s32 $0x2;
	(pc) =	sbr.rel .LBB2_6-.Ltmp5, $4  }
0x130: {  	s26 =	sadd.s32 $0xF0, s26;
	s1 =	smov.u32 s8;
	_ =	swait.ge [sflag:s25], $0x50  }
0x131: {  	s31 =	simm.s32 $0x14200;
	s1 =	smov.u32 @p1 s22;
	[sflag:s25] =	ssyncset.done $0x0  }
0x132: {  	s1 =	smov.u32 @p4 s2;
	[sflag:s25] =	ssyncadd.s32 $0xFFFFFFB0;
	s25 =	simm.s32 $0x19300  }
0x133: {  	[tilespmem:s12], [sflag:$0x5] =	stream.indirect.gather [hbm4b:s1+s16], $0x80, s14, s16, $0xb8;
	[tilespmem:$0x1DB00] =	vst v63  }
.LBB2_8:
0x134: {  	_ =	swait.ge [sflag:s0], $0x2800  }
0x135: {  	[sflag:s0] =	ssyncset.done $0x0  }
0x136: {  	[sflag:s0] =	ssyncadd.s32 $0xFFFFD800  }
0x137: {  	_ =	swait.ge [sflag:s23], $0x50  }
0x138: {  	[sflag:s23] =	ssyncset.done $0x0  }
0x139: {  	[sflag:s23] =	ssyncadd.s32 $0xFFFFFFB0  }
0x13a: {  	[spmem:s3] =	stream.indirect.scatter.add.f32 [tilespmem:s11], [sflag:$0xA], $0x80, s20, s16, $0xb8;
	[tilespmem:$0x1DB00] =	vst v63  }
0x13b: {  	_ =	swait.ge [sflag:s19], $0x2800  }
0x13c: {  	s1 =	sld [smem:$0x7F4]  }
0x13d: {  	[sflag:s19] =	ssyncset.done $0x0  }
0x13e: {  	[sflag:s19] =	ssyncadd.s32 $0xFFFFD800  }
0x13f: {  	s17 =	stileid.u32;
	[bflag:$0x0] =	sbarrier.arrive $0xFFFF;
	p3 =	seq.s32 s1, $0x1  }
0x140: {  	s18 =	rddreg [dreg:$0x13];
	s1 =	sshll.u32 @p3 s17, $0x6  }
0x141: {  	s10 =	rddreg [dreg:$0x15];
	s9 =	sshrl.u32 @p3 s18, $0x3;
	s1 =	sor.u32 @p3 $0x1C0A, s1  }
0x142: {  	[hbm:s10], [sflag:s1] =	dma.local @p3 [spmem:s9], $0x2800  }
0x143: {  	s1 =	sld [smem:$0x7F2]  }
0x144: {  	s26 =	sld [smem:$0x7E9];
	_ =	sdelay $0x1  }
0x145: {  	s9 =	sld [smem:$0x7F5];
	p0 =	seq.s32 s1, $0x1;
	s1 =	simm.s32 @p3 $0xA  }
0x146: {  	p2 =	seq.s32 s26, $0x1;
	_ =	swait.ge @p3 [sflag:s1], $0x2800  }
0x147: {  	p0 =	por !p0, !p2;
	s31 =	sld [smem:$0x7F3]  }
0x148: {  	p5 =	seq.s32 s9, $0x1;
	p1 =	por !p0, !p0;
	[sflag:s1] =	ssyncset.done @p3 $0x0  }
0x149: {  	s10 =	rddreg [dreg:$0x16];
	p4 =	por !p5, p1;
	[sflag:s1] =	ssyncadd.s32 @p3 $0xFFFFD800  }
0x14a: {  	p0 =	por @!p4 $0x1, $0x1;
	s9 =	sshll.u32 @!p4 s17, $0x6;
	p5 =	seq.s32 s31, $0x1  }
0x14b: {  	s1 =	sor.u32 @!p4 $0x1C0A, s9;
	s9 =	sshrl.u32 @!p4 s18, $0x3;
	p5 =	por @!p4 p0, p0  }
0x14c: {  	[hbm:s10], [sflag:s1] =	dma.local @!p4 [spmem:s9], $0x2800  }
0x14d: {  	p0 =	por @!p1 !p2, !p5  }
0x14e: {  	p0 =	por @!p1 !p0, !p0  }
0x14f: {  	p0 =	por p1, p0  }
.Ltmp6:
0x150: {  	s1 =	simm.s32 @!p4 $0xA;
	(pc) =	sbr.rel @!p0 .LBB2_10-.Ltmp6, $4  }
0x151: {  	_ =	swait.ge @!p4 [sflag:s1], $0x2800  }
0x152: {  	s12 =	sld [smem:$0x7EA]  }
0x153: {  	[sflag:s1] =	ssyncset.done @!p4 $0x0  }
0x154: {  	s25 =	simm.s32 $0x19300;
	[sflag:s1] =	ssyncadd.s32 @!p4 $0xFFFFD800  }
0x155: {  	s1 =	rddreg [dreg:$0x11]  }
0x156: {  	s9 =	rddreg [dreg:$0x10];
	s31 =	sshll.u32 s17, $0x6  }
0x157: {  	s10 =	rddreg [dreg:$0x1b];
	s1 =	smov.u32 @p1 s9;
	s9 =	sor.u32 $0x1C0A, s31  }
.Ltmp7:
0x158: {  	s10 =	sshrl.u32 s10, $0x3;
	s1 =	sadd.s32 $0x25800, s1;
	(pc) =	sbr.rel .LBB2_10-.Ltmp7, $4  }
0x159: {  	[hbm:s1], [sflag:s9] =	dma.local [spmem:s10], $0x1900  }
0x15a: {  	_ =	swait.ge [sflag:s19], $0x1900  }
0x15b: {  	[sflag:s19] =	ssyncset.done $0x0  }
0x15c: {  	[sflag:s19] =	ssyncadd.s32 $0xFFFFE700  }
.LBB2_11:
0x15d: {  	_ =	sfence.sel $0x180000  }
0x15e: {  	[bflag:$0x0] =	sbarrier.arrive $0xFFFF  }
0x15f: {  	_ =	strace $0x90000047  }
0x160: {  	[bflag:$0x2] =	sbarrier.arrive $0xFFFF  }
0x161: {  	p0 =	sne.s32 s17, $0x0;
	s0 =	rddreg [dreg:$0x3]  }
0x162: {  	s0 =	sadd.s32 @!p0 $0x100000, s0  }
0x163: {  	[sflag:s0] =	ssyncadd.tile.s32 @!p0 $0x1;
	_ =	shalt  }
.Lfunc_end2:
_tile_overlayer_lowered:
.L_overlay_start_2:
0x164: {  	(tag) =	ssettag $0x2  }
0x165: {  	s0 =	rddreg [dreg:$0x0];
	s2 =	stileid.u32  }
0x166: {  	s1 =	rddreg [dreg:$0x1];
	p0 =	sne.s32 s2, $0x0  }
0x167: {  	s3 =	rddreg [dreg:$0x2];
	[bflag:$0x3] =	sbarrier.arrive $0xFFFF;
	s2 =	simm.s32 @!p0 $0x1C0A  }
0x168: {  	[timem:s3], [sflag:s2] =	dma.local @!p0 [hbm:s0], s1  }
0x169: {  	s0 =	simm.s32 @!p0 $0xA  }
0x16a: {  	_ =	swait.ge @!p0 [sflag:s0], s1  }
0x16b: {  	s1 =	ssub.s32 @!p0 $0x0, s1;
	[sflag:s0] =	ssyncset.done @!p0 $0x0  }
0x16c: {  	[sflag:s0] =	ssyncadd.s32 @!p0 s1  }
0x16d: {  	[bflag:$0x3] =	sbarrier.arrive $0xFFFF  }
0x16e: {  	_ =	shalt  }

</sc_bundles>
